<compile_context>
chip_gen: v7x
topology: tpu7x:2x2x1
jax: 0.10.2.dev20260603
libtpu: 0.0.44.dev20260713+nightly
codegen_flags: <defaults>
</compile_context>

<pallas_src>
import math

import jax
import jax.numpy as jnp
from jax.experimental import pallas as pl
from jax.experimental.pallas import tpu as pltpu

H = 128
F = 128
L = 6
NG = 50
NGP = 64
CUTOFF = 10.0
N = 4096
B = 64
TB = 64
NB = N // TB
GRID = NB * NB
ZPAD = 128
LOG2 = math.log(2.0)
DELTA = CUTOFF / (NG - 1)
COEFF = -0.5 / DELTA ** 2


def _ssp(x):
    return jax.nn.softplus(x) - LOG2


def _embed_kernel(z_r, emb_r, out_r):
    zcol = z_r[...]
    oh = (zcol == jax.lax.broadcasted_iota(jnp.int32, (TB, ZPAD), 1))
    out_r[...] = jnp.dot(oh.astype(jnp.float32), emb_r[...],
                         preferred_element_type=jnp.float32)


def _pair_kernel(ti_r, tj_r, cnt_r, posj_r, posit_r, bj_r, bi_r, out_r):
    p = pl.program_id(0)
    ti = ti_r[p]
    tj = tj_r[p]
    pj = posj_r[...]
    pit = posit_r[0]
    d2t = (pj[:, 0:1] - pit[0:1, :]) ** 2
    d2t = d2t + (pj[:, 1:2] - pit[1:2, :]) ** 2
    d2t = d2t + (pj[:, 2:3] - pit[2:3, :]) ** 2
    dt = jnp.sqrt(d2t)
    gj = tj * TB + jax.lax.broadcasted_iota(jnp.int32, (TB, TB), 0)
    gi = ti * TB + jax.lax.broadcasted_iota(jnp.int32, (TB, TB), 1)
    mt = (bj_r[...] == bi_r[0]) & (gj != gi) & (d2t < CUTOFF ** 2)
    cwt = 0.5 * (jnp.cos(dt * (jnp.pi / CUTOFF)) + 1.0)
    cwt = cwt * mt.astype(jnp.float32)
    dcol = jnp.concatenate([dt[:, i:i + 1] for i in range(TB)], axis=0)
    ccol = jnp.concatenate([cwt[:, i:i + 1] for i in range(TB)], axis=0)
    out_r[...] = jnp.concatenate([dcol, ccol], axis=1)


def _layer_kernel(ta_r, tb_r, cnt_r,
                  ha_r, hb_r, hfull_r, dc_r,
                  cw1_r, mw1_r, mb1_r, mw2_r, mb2_r,
                  cw2_r, cb2_r, lw_r, lb_r,
                  out_r, acc_r):
    p = pl.program_id(0)
    cnt = cnt_r[0]
    ta = ta_r[p]
    tb = tb_r[p]

    @pl.when(p == 0)
    def _init():
        acc_r[...] = jnp.zeros_like(acc_r)

    xfa = jnp.dot(ha_r[...], cw1_r[...],
                  preferred_element_type=jnp.float32)
    ilane = jax.lax.broadcasted_iota(jnp.int32, (1, NGP), 1)
    offs = jnp.where(ilane < NG, ilane.astype(jnp.float32) * DELTA, 0.0)

    dsl = dc_r[:, 0:1]
    ea = jnp.exp(COEFF * (dsl - offs) ** 2)
    hid = _ssp(jnp.dot(ea, mw1_r[...],
                       preferred_element_type=jnp.float32) + mb1_r[...])
    wf = jnp.dot(hid, mw2_r[...],
                 preferred_element_type=jnp.float32) + mb2_r[...]
    wf = wf * dc_r[:, 1:2]
    wf3 = wf.reshape(TB, TB, F)
    partial_b = jnp.sum(wf3 * xfa[:, None, :], axis=0)
    acc_r[pl.ds(tb * TB, TB), :] += partial_b

    @pl.when(ta != tb)
    def _sym():
        xfb = jnp.dot(hb_r[...], cw1_r[...],
                      preferred_element_type=jnp.float32)
        partial_a = jnp.sum(wf3 * xfb[None, :, :], axis=1)
        acc_r[pl.ds(ta * TB, TB), :] += partial_a

    @pl.when(p == cnt - 1)
    def _finish():
        v = jnp.dot(acc_r[...], cw2_r[...],
                    preferred_element_type=jnp.float32) + cb2_r[...]
        v = _ssp(v)
        v = jnp.dot(v, lw_r[...], preferred_element_type=jnp.float32) + lb_r[...]
        out_r[...] = hfull_r[...] + v


def _head_kernel(h_r, bat_r, w1_r, b1_r, w2_r, b2_r, rw_r, rb_r, out_r):
    hh = _ssp(jnp.dot(h_r[...], w1_r[...],
                      preferred_element_type=jnp.float32) + b1_r[...])
    hh = jnp.dot(hh, w2_r[...], preferred_element_type=jnp.float32) + b2_r[...]
    oh = (jax.lax.broadcasted_iota(jnp.int32, (B, N), 0) == bat_r[...])
    g = jnp.dot(oh.astype(jnp.float32), hh, preferred_element_type=jnp.float32)
    out_r[...] = jnp.dot(g, rw_r[...], preferred_element_type=jnp.float32) + rb_r[...]


def kernel(z, pos, batch, emb_table, mlp_w1, mlp_b1, mlp_w2, mlp_b2,
           conv_w1, conv_w2, conv_b2, lin_w, lin_b,
           head1_w, head1_b, head2_w, head2_b, reg_w, reg_b):
    z = z.astype(jnp.int32)
    batch = batch.astype(jnp.int32)

    bmat = batch.reshape(NB, TB)
    bmin, bmax = bmat[:, 0], bmat[:, -1]
    ov = (bmin[:, None] <= bmax[None, :]) & (bmin[None, :] <= bmax[:, None])
    ii = jnp.arange(NB)
    ov = ov & (ii[:, None] <= ii[None, :])
    flat = ov.reshape(-1)
    idx = jnp.nonzero(flat, size=GRID, fill_value=0)[0]
    cnt = flat.sum().astype(jnp.int32)
    last_idx = idx[cnt - 1]
    idx = jnp.where(jnp.arange(GRID) < cnt, idx, last_idx).astype(jnp.int32)
    ta_arr = (idx // NB).astype(jnp.int32)
    tb_arr = (idx % NB).astype(jnp.int32)
    cnt_arr = cnt.reshape(1)

    emb_p = jnp.zeros((ZPAD, H), jnp.float32).at[:100].set(emb_table)
    h = pl.pallas_call(
        _embed_kernel,
        grid=(NB,),
        in_specs=[pl.BlockSpec((TB, 1), lambda i: (i, 0)),
                  pl.BlockSpec((ZPAD, H), lambda i: (0, 0))],
        out_specs=pl.BlockSpec((TB, H), lambda i: (i, 0)),
        out_shape=jax.ShapeDtypeStruct((N, H), jnp.float32),
    )(z.reshape(N, 1), emb_p)

    post = jnp.zeros((NB, 8, TB), jnp.float32).at[:, :3, :].set(
        pos.reshape(NB, TB, 3).transpose(0, 2, 1))
    bcol = batch.reshape(N, 1)
    brow = batch.reshape(NB, 1, TB)
    mlp_w1p = jnp.zeros((L, NGP, F), jnp.float32).at[:, :NG].set(mlp_w1)

    dc = pl.pallas_call(
        _pair_kernel,
        grid_spec=pltpu.PrefetchScalarGridSpec(
            num_scalar_prefetch=3,
            grid=(cnt,),
            in_specs=[
                pl.BlockSpec((TB, 3), lambda p, ti, tj, c: (tj[p], 0)),
                pl.BlockSpec((1, 8, TB), lambda p, ti, tj, c: (ti[p], 0, 0)),
                pl.BlockSpec((TB, 1), lambda p, ti, tj, c: (tj[p], 0)),
                pl.BlockSpec((1, 1, TB), lambda p, ti, tj, c: (ti[p], 0, 0)),
            ],
            out_specs=pl.BlockSpec((TB * TB, 2), lambda p, ti, tj, c: (p, 0)),
        ),
        out_shape=jax.ShapeDtypeStruct((GRID * TB * TB, 2), jnp.float32),
    )(ta_arr, tb_arr, cnt_arr, pos, post, bcol, brow)

    layer_call = pl.pallas_call(
        _layer_kernel,
        grid_spec=pltpu.PrefetchScalarGridSpec(
            num_scalar_prefetch=3,
            grid=(cnt,),
            in_specs=[
                pl.BlockSpec((TB, H), lambda p, ti, tj, c: (ti[p], 0)),
                pl.BlockSpec((TB, H), lambda p, ti, tj, c: (tj[p], 0)),
                pl.BlockSpec((N, H), lambda p, ti, tj, c: (0, 0)),
                pl.BlockSpec((TB * TB, 2), lambda p, ti, tj, c: (p, 0)),
                pl.BlockSpec((H, F), lambda p, ti, tj, c: (0, 0)),
                pl.BlockSpec((NGP, F), lambda p, ti, tj, c: (0, 0)),
                pl.BlockSpec((1, F), lambda p, ti, tj, c: (0, 0)),
                pl.BlockSpec((F, F), lambda p, ti, tj, c: (0, 0)),
                pl.BlockSpec((1, F), lambda p, ti, tj, c: (0, 0)),
                pl.BlockSpec((F, H), lambda p, ti, tj, c: (0, 0)),
                pl.BlockSpec((1, H), lambda p, ti, tj, c: (0, 0)),
                pl.BlockSpec((H, H), lambda p, ti, tj, c: (0, 0)),
                pl.BlockSpec((1, H), lambda p, ti, tj, c: (0, 0)),
            ],
            out_specs=pl.BlockSpec((N, H), lambda p, ti, tj, c: (0, 0)),
            scratch_shapes=[pltpu.VMEM((N, F), jnp.float32)],
        ),
        out_shape=jax.ShapeDtypeStruct((N, H), jnp.float32),
    )
    for l in range(L):
        h = layer_call(ta_arr, tb_arr, cnt_arr, h, h, h, dc,
                       conv_w1[l], mlp_w1p[l], mlp_b1[l].reshape(1, F),
                       mlp_w2[l], mlp_b2[l].reshape(1, F),
                       conv_w2[l], conv_b2[l].reshape(1, H),
                       lin_w[l], lin_b[l].reshape(1, H))

    out = pl.pallas_call(
        _head_kernel,
        grid=(1,),
        in_specs=[
            pl.BlockSpec((N, H), lambda i: (0, 0)),
            pl.BlockSpec((1, N), lambda i: (0, 0)),
            pl.BlockSpec((H, H // 2), lambda i: (0, 0)),
            pl.BlockSpec((1, H // 2), lambda i: (0, 0)),
            pl.BlockSpec((H // 2, H), lambda i: (0, 0)),
            pl.BlockSpec((1, H), lambda i: (0, 0)),
            pl.BlockSpec((H, 1), lambda i: (0, 0)),
            pl.BlockSpec((1, 1), lambda i: (0, 0)),
        ],
        out_specs=pl.BlockSpec((B, 1), lambda i: (0, 0)),
        out_shape=jax.ShapeDtypeStruct((B, 1), jnp.float32),
    )(h, batch.reshape(1, N), head1_w, head1_b.reshape(1, H // 2),
      head2_w, head2_b.reshape(1, H), reg_w, reg_b.reshape(1, 1))
    return out

# --- scband reference (transcript-rebuilt; emitter-appended) ---
"""Pipeline reference for scband-sch-net-regressorv0-1288490188818 (READ-ONLY COPY).

The authoritative reference and input builder live on the scoring server;
editing this copy changes nothing except your own understanding.
"""

import jax, jax.numpy as jnp
import numpy as np

H = 128
F = 128
L = 6
NG = 50
CUTOFF = 10.0
N = 4096
B = 64


def ssp(x):
    return jax.nn.softplus(x) - jnp.log(2.0)


def radius_graph(pos, batch):
    d2 = ((pos[:, None, :] - pos[None, :, :]) ** 2).sum(-1)
    same = batch[:, None] == batch[None, :]
    eye = jnp.eye(pos.shape[0], dtype=bool)
    mask = same & (d2 < CUTOFF ** 2) & (~eye)
    return mask, jnp.sqrt(d2)


def setup_inputs(seed: int = 0) -> dict:
    key = jax.random.key(seed)
    ks = jax.random.split(key, 20)
    s = 0.1
    inp = {}
    inp['z'] = jax.random.randint(ks[0], (N,), 0, 100)
    inp['pos'] = jax.random.uniform(ks[1], (N, 3), dtype=jnp.float32)
    inp['batch'] = jnp.sort(jax.random.randint(ks[2], (N,), 0, B))
    inp['emb_table'] = jax.random.normal(ks[3], (100, H), dtype=jnp.float32) * s
    inp['mlp_w1'] = jax.random.normal(ks[4], (L, NG, F), dtype=jnp.float32) * s
    inp['mlp_b1'] = jnp.zeros((L, F), jnp.float32)
    inp['mlp_w2'] = jax.random.normal(ks[5], (L, F, F), dtype=jnp.float32) * s
    inp['mlp_b2'] = jnp.zeros((L, F), jnp.float32)
    inp['conv_w1'] = jax.random.normal(ks[6], (L, H, F), dtype=jnp.float32) * s
    inp['conv_w2'] = jax.random.normal(ks[7], (L, F, H), dtype=jnp.float32) * s
    inp['conv_b2'] = jnp.zeros((L, H), jnp.float32)
    inp['lin_w'] = jax.random.normal(ks[8], (L, H, H), dtype=jnp.float32) * s
    inp['lin_b'] = jnp.zeros((L, H), jnp.float32)
    inp['head1_w'] = jax.random.normal(ks[9], (H, H // 2), dtype=jnp.float32) * s
    inp['head1_b'] = jnp.zeros((H // 2,), jnp.float32)
    inp['head2_w'] = jax.random.normal(ks[10], (H // 2, H), dtype=jnp.float32) * s
    inp['head2_b'] = jnp.zeros((H,), jnp.float32)
    inp['reg_w'] = jax.random.normal(ks[11], (H, 1), dtype=jnp.float32) * s
    inp['reg_b'] = jnp.zeros((1,), jnp.float32)
    return inp


def reference(z, pos, batch, emb_table, mlp_w1, mlp_b1, mlp_w2, mlp_b2,
              conv_w1, conv_w2, conv_b2, lin_w, lin_b,
              head1_w, head1_b, head2_w, head2_b, reg_w, reg_b):
    mask, d = radius_graph(pos, batch)
    offsets = jnp.linspace(0.0, CUTOFF, NG)
    coeff = -0.5 / (offsets[1] - offsets[0]) ** 2
    C = 0.5 * (jnp.cos(d * jnp.pi / CUTOFF) + 1.0)
    cs = 128
    chn = N // cs
    d_chunks = jnp.moveaxis(d.reshape(N, chn, cs), 1, 0)
    mask_chunks = jnp.moveaxis(mask.reshape(N, chn, cs), 1, 0)
    C_chunks = jnp.moveaxis(C.reshape(N, chn, cs), 1, 0)
    h = emb_table[z]
    for l in range(L):
        xf = h @ conv_w1[l]

        def agg_chunk(args, xf=xf, l=l):
            d_c, m_c, C_c = args
            edge_attr = jnp.exp(coeff * (d_c[:, :, None] - offsets[None, None, :]) ** 2)
            Wf = ssp(edge_attr @ mlp_w1[l] + mlp_b1[l]) @ mlp_w2[l] + mlp_b2[l]
            Wf = Wf * C_c[:, :, None]
            msg = xf[:, None, :] * Wf
            msg = jnp.where(m_c[:, :, None], msg, 0.0)
            return msg.sum(0)

        agg = jax.lax.map(agg_chunk, (d_chunks, mask_chunks, C_chunks)).reshape(N, F)
        v = agg @ conv_w2[l] + conv_b2[l]
        v = ssp(v)
        v = v @ lin_w[l] + lin_b[l]
        h = h + v
    hh = ssp(h @ head1_w + head1_b) @ head2_w + head2_b
    g = jax.ops.segment_sum(hh, batch, num_segments=B)
    out = g @ reg_w + reg_b
    return out

if __name__ == "__main__":
    import jax
    _d = setup_inputs()
    print(jax.jit(kernel)(*tuple(_d.values())))

</pallas_src>

<mosaic_0001>
module attributes {stable_mosaic.version = 14 : i64} {
  func.func @_embed_kernel(%arg0: i32, %arg1: memref<64x1xi32, #tpu.memory_space<vmem>>, %arg2: memref<128x128xf32, #tpu.memory_space<vmem>>, %arg3: memref<64x128xf32, #tpu.memory_space<vmem>>) attributes {dimension_semantics = [#tpu.dimension_semantics<arbitrary>], iteration_bounds = array<i64: 64>, scalar_prefetch = 0 : i64, scratch_operands = 0 : i64, tpu.core_type = #tpu.core_type<tc>, window_params = [{transform_indices = @transform_0, window_bounds = array<i64: 64, 1>}, {pipeline_mode = #tpu.pipeline_mode<synchronous>, transform_indices = @transform_1, window_bounds = array<i64: 128, 128>}, {transform_indices = @transform_2, window_bounds = array<i64: 64, 128>}]} {
    %get3A = arith.constant 0 : index
    %get3A_0 = arith.constant 0 : index
    %get3A_1 = vector.load %arg1[%get3A, %get3A_0] : memref<64x1xi32, #tpu.memory_space<vmem>>, vector<64x1xi32>
    %iota3A = tpu.iota {dimensions = array<i32: 1>} : vector<64x128xi32>
    %eq3A = vector.broadcast %get3A_1 : vector<64x1xi32> to vector<64x128xi32>
    %eq3A_2 = arith.cmpi eq, %eq3A, %iota3A : vector<64x128xi32>
    %convert_element_type3A = arith.extui %eq3A_2 : vector<64x128xi1> to vector<64x128xi32>
    %convert_element_type3A_3 = arith.sitofp %convert_element_type3A : vector<64x128xi32> to vector<64x128xf32>
    %get3A_4 = arith.constant 0 : index
    %get3A_5 = arith.constant 0 : index
    %get3A_6 = vector.load %arg2[%get3A_4, %get3A_5] : memref<128x128xf32, #tpu.memory_space<vmem>>, vector<128x128xf32>
    %dot_general3A = arith.constant dense<0.000000e+00> : vector<64x128xf32>
    %dot_general3A_7 = tpu.matmul %convert_element_type3A_3, %get3A_6, %dot_general3A {dimension_numbers = #tpu.dot_dimension_numbers<[1], [0], [0], [1], [0, 0, 1, 1], [], []>, transpose_lhs_hint = false} : vector<64x128xf32>, vector<128x128xf32>, vector<64x128xf32> -> vector<64x128xf32>
    %swap3A = arith.constant 0 : index
    %swap3A_8 = arith.constant 0 : index
    %swap3A_9 = vector.load %arg3[%swap3A, %swap3A_8] : memref<64x128xf32, #tpu.memory_space<vmem>>, vector<64x128xf32>
    tpu.vector_store %arg3[%swap3A, %swap3A_8], %dot_general3A_7 {strides = array<i32>} : memref<64x128xf32, #tpu.memory_space<vmem>>, vector<64x128xf32>,
    return
  }
  func.func @transform_0(%arg0: i32) -> (i32, i32) {
    %c0_i32 = arith.constant 0 : i32
    %c0_i32_0 = arith.constant 0 : i32
    return %arg0, %c0_i32 : i32, i32
  }
  func.func @transform_1(%arg0: i32) -> (i32, i32) {
    %c0_i32 = arith.constant 0 : i32
    %c0_i32_0 = arith.constant 0 : i32
    %c0_i32_1 = arith.constant 0 : i32
    return %c0_i32, %c0_i32_0 : i32, i32
  }
  func.func @transform_2(%arg0: i32) -> (i32, i32) {
    %c0_i32 = arith.constant 0 : i32
    %c0_i32_0 = arith.constant 0 : i32
    return %arg0, %c0_i32 : i32, i32
  }
}

module attributes {stable_mosaic.version = 14 : i64} {
  func.func @_pair_kernel(%arg0: i32, %arg1: memref<4096xi32, #tpu.memory_space<smem>>, %arg2: memref<4096xi32, #tpu.memory_space<smem>>, %arg3: memref<1xi32, #tpu.memory_space<smem>>, %arg4: memref<64x3xf32, #tpu.memory_space<vmem>>, %arg5: memref<1x8x64xf32, #tpu.memory_space<vmem>>, %arg6: memref<64x1xi32, #tpu.memory_space<vmem>>, %arg7: memref<1x1x64xi32, #tpu.memory_space<vmem>>, %arg8: memref<4096x2xf32, #tpu.memory_space<vmem>>) attributes {dimension_semantics = [#tpu.dimension_semantics<arbitrary>], iteration_bounds = array<i64: -9223372036854775808>, scalar_prefetch = 3 : i64, scratch_operands = 0 : i64, tpu.core_type = #tpu.core_type<tc>, window_params = [{transform_indices = @transform_0, window_bounds = array<i64: 64, 3>}, {transform_indices = @transform_1, window_bounds = array<i64: 1, 8, 64>}, {transform_indices = @transform_2, window_bounds = array<i64: 64, 1>}, {transform_indices = @transform_3, window_bounds = array<i64: 1, 1, 64>}, {transform_indices = @transform_4, window_bounds = array<i64: 4096, 2>}]} {
    %get3A = arith.index_cast %arg0 : i32 to index
    %get3A_0 = memref.load %arg1[%get3A] : memref<4096xi32, #tpu.memory_space<smem>>
    %get3A_1 = arith.index_cast %arg0 : i32 to index
    %get3A_2 = memref.load %arg2[%get3A_1] : memref<4096xi32, #tpu.memory_space<smem>>
    %get3A_3 = arith.constant 0 : index
    %get3A_4 = arith.constant 0 : index
    %get3A_5 = vector.load %arg4[%get3A_3, %get3A_4] : memref<64x3xf32, #tpu.memory_space<vmem>>, vector<64x3xf32>
    %get3A_6 = arith.constant 0 : index
    %get3A_7 = arith.constant 0 : index
    %get3A_8 = arith.constant 0 : index
    %get3A_9 = vector.load %arg5[%get3A_6, %get3A_7, %get3A_8] : memref<1x8x64xf32, #tpu.memory_space<vmem>>, vector<1x8x64xf32>
    %get3A_10 = vector.shape_cast %get3A_9 : vector<1x8x64xf32> to vector<8x64xf32>
    %slice3A = vector.extract_strided_slice %get3A_5 {offsets = [0, 0], sizes = [64, 1], strides = [1, 1]} : vector<64x3xf32> to vector<64x1xf32>
    %slice3A_11 = vector.extract_strided_slice %get3A_10 {offsets = [0, 0], sizes = [1, 64], strides = [1, 1]} : vector<8x64xf32> to vector<1x64xf32>
    %sub3A = vector.broadcast %slice3A : vector<64x1xf32> to vector<64x64xf32>
    %sub3A_12 = vector.broadcast %slice3A_11 : vector<1x64xf32> to vector<64x64xf32>
    %sub3A_13 = arith.subf %sub3A, %sub3A_12 : vector<64x64xf32>
    %integer_pow3A = arith.mulf %sub3A_13, %sub3A_13 : vector<64x64xf32>
    %slice3A_14 = vector.extract_strided_slice %get3A_5 {offsets = [0, 1], sizes = [64, 1], strides = [1, 1]} : vector<64x3xf32> to vector<64x1xf32>
    %slice3A_15 = vector.extract_strided_slice %get3A_10 {offsets = [1, 0], sizes = [1, 64], strides = [1, 1]} : vector<8x64xf32> to vector<1x64xf32>
    %sub3A_16 = vector.broadcast %slice3A_14 : vector<64x1xf32> to vector<64x64xf32>
    %sub3A_17 = vector.broadcast %slice3A_15 : vector<1x64xf32> to vector<64x64xf32>
    %sub3A_18 = arith.subf %sub3A_16, %sub3A_17 : vector<64x64xf32>
    %integer_pow3A_19 = arith.mulf %sub3A_18, %sub3A_18 : vector<64x64xf32>
    %add3A = arith.addf %integer_pow3A, %integer_pow3A_19 : vector<64x64xf32>
    %slice3A_20 = vector.extract_strided_slice %get3A_5 {offsets = [0, 2], sizes = [64, 1], strides = [1, 1]} : vector<64x3xf32> to vector<64x1xf32>
    %slice3A_21 = vector.extract_strided_slice %get3A_10 {offsets = [2, 0], sizes = [1, 64], strides = [1, 1]} : vector<8x64xf32> to vector<1x64xf32>
    %sub3A_22 = vector.broadcast %slice3A_20 : vector<64x1xf32> to vector<64x64xf32>
    %sub3A_23 = vector.broadcast %slice3A_21 : vector<1x64xf32> to vector<64x64xf32>
    %sub3A_24 = arith.subf %sub3A_22, %sub3A_23 : vector<64x64xf32>
    %integer_pow3A_25 = arith.mulf %sub3A_24, %sub3A_24 : vector<64x64xf32>
    %add3A_26 = arith.addf %add3A, %integer_pow3A_25 : vector<64x64xf32>
    %sqrt3A = math.sqrt %add3A_26 : vector<64x64xf32>
    %mul3A = arith.constant 64 : i32
    %mul3A_27 = arith.muli %get3A_2, %mul3A : i32
    %iota3A = tpu.iota {dimensions = array<i32: 0>} : vector<64x64xi32>
    %add3A_28 = vector.broadcast %mul3A_27 : i32 to vector<64x64xi32>
    %add3A_29 = arith.addi %add3A_28, %iota3A : vector<64x64xi32>
    %mul3A_30 = arith.constant 64 : i32
    %mul3A_31 = arith.muli %get3A_0, %mul3A_30 : i32
    %iota3A_32 = tpu.iota {dimensions = array<i32: 1>} : vector<64x64xi32>
    %add3A_33 = vector.broadcast %mul3A_31 : i32 to vector<64x64xi32>
    %add3A_34 = arith.addi %add3A_33, %iota3A_32 : vector<64x64xi32>
    %get3A_35 = arith.constant 0 : index
    %get3A_36 = arith.constant 0 : index
    %get3A_37 = vector.load %arg6[%get3A_35, %get3A_36] : memref<64x1xi32, #tpu.memory_space<vmem>>, vector<64x1xi32>
    %get3A_38 = arith.constant 0 : index
    %get3A_39 = arith.constant 0 : index
    %get3A_40 = arith.constant 0 : index
    %get3A_41 = vector.load %arg7[%get3A_38, %get3A_39, %get3A_40] : memref<1x1x64xi32, #tpu.memory_space<vmem>>, vector<1x1x64xi32>
    %get3A_42 = vector.shape_cast %get3A_41 : vector<1x1x64xi32> to vector<1x64xi32>
    %eq3A = vector.broadcast %get3A_37 : vector<64x1xi32> to vector<64x64xi32>
    %eq3A_43 = vector.broadcast %get3A_42 : vector<1x64xi32> to vector<64x64xi32>
    %eq3A_44 = arith.cmpi eq, %eq3A, %eq3A_43 : vector<64x64xi32>
    %ne3A = arith.cmpi ne, %add3A_29, %add3A_34 : vector<64x64xi32>
    %and3A = arith.andi %eq3A_44, %ne3A : vector<64x64xi1>
    %lt3A = arith.constant 1.000000e+02 : f32
    %lt3A_45 = vector.broadcast %lt3A : f32 to vector<64x64xf32>
    %lt3A_46 = arith.cmpf olt, %add3A_26, %lt3A_45 : vector<64x64xf32>
    %and3A_47 = arith.andi %and3A, %lt3A_46 : vector<64x64xi1>
    %mul3A_48 = arith.constant 0.314159274 : f32
    %mul3A_49 = vector.broadcast %mul3A_48 : f32 to vector<64x64xf32>
    %mul3A_50 = arith.mulf %sqrt3A, %mul3A_49 : vector<64x64xf32>
    %cos3A = math.cos %mul3A_50 : vector<64x64xf32>
    %add3A_51 = arith.constant 1.000000e+00 : f32
    %add3A_52 = vector.broadcast %add3A_51 : f32 to vector<64x64xf32>
    %add3A_53 = arith.addf %cos3A, %add3A_52 : vector<64x64xf32>
    %mul3A_54 = arith.constant 5.000000e-01 : f32
    %mul3A_55 = vector.broadcast %mul3A_54 : f32 to vector<64x64xf32>
    %mul3A_56 = arith.mulf %mul3A_55, %add3A_53 : vector<64x64xf32>
    %convert_element_type3A = arith.extui %and3A_47 : vector<64x64xi1> to vector<64x64xi32>
    %convert_element_type3A_57 = arith.sitofp %convert_element_type3A : vector<64x64xi32> to vector<64x64xf32>
    %mul3A_58 = arith.mulf %mul3A_56, %convert_element_type3A_57 : vector<64x64xf32>
    %slice3A_59 = vector.extract_strided_slice %sqrt3A {offsets = [0, 0], sizes = [64, 1], strides = [1, 1]} : vector<64x64xf32> to vector<64x1xf32>
    %slice3A_60 = vector.extract_strided_slice %sqrt3A {offsets = [0, 1], sizes = [64, 1], strides = [1, 1]} : vector<64x64xf32> to vector<64x1xf32>
    %slice3A_61 = vector.extract_strided_slice %sqrt3A {offsets = [0, 2], sizes = [64, 1], strides = [1, 1]} : vector<64x64xf32> to vector<64x1xf32>
    %slice3A_62 = vector.extract_strided_slice %sqrt3A {offsets = [0, 3], sizes = [64, 1], strides = [1, 1]} : vector<64x64xf32> to vector<64x1xf32>
    %slice3A_63 = vector.extract_strided_slice %sqrt3A {offsets = [0, 4], sizes = [64, 1], strides = [1, 1]} : vector<64x64xf32> to vector<64x1xf32>
    %slice3A_64 = vector.extract_strided_slice %sqrt3A {offsets = [0, 5], sizes = [64, 1], strides = [1, 1]} : vector<64x64xf32> to vector<64x1xf32>
    %slice3A_65 = vector.extract_strided_slice %sqrt3A {offsets = [0, 6], sizes = [64, 1], strides = [1, 1]} : vector<64x64xf32> to vector<64x1xf32>
    %slice3A_66 = vector.extract_strided_slice %sqrt3A {offsets = [0, 7], sizes = [64, 1], strides = [1, 1]} : vector<64x64xf32> to vector<64x1xf32>
    %slice3A_67 = vector.extract_strided_slice %sqrt3A {offsets = [0, 8], sizes = [64, 1], strides = [1, 1]} : vector<64x64xf32> to vector<64x1xf32>
    %slice3A_68 = vector.extract_strided_slice %sqrt3A {offsets = [0, 9], sizes = [64, 1], strides = [1, 1]} : vector<64x64xf32> to vector<64x1xf32>
    %slice3A_69 = vector.extract_strided_slice %sqrt3A {offsets = [0, 10], sizes = [64, 1], strides = [1, 1]} : vector<64x64xf32> to vector<64x1xf32>
    %slice3A_70 = vector.extract_strided_slice %sqrt3A {offsets = [0, 11], sizes = [64, 1], strides = [1, 1]} : vector<64x64xf32> to vector<64x1xf32>
    %slice3A_71 = vector.extract_strided_slice %sqrt3A {offsets = [0, 12], sizes = [64, 1], strides = [1, 1]} : vector<64x64xf32> to vector<64x1xf32>
    %slice3A_72 = vector.extract_strided_slice %sqrt3A {offsets = [0, 13], sizes = [64, 1], strides = [1, 1]} : vector<64x64xf32> to vector<64x1xf32>
    %slice3A_73 = vector.extract_strided_slice %sqrt3A {offsets = [0, 14], sizes = [64, 1], strides = [1, 1]} : vector<64x64xf32> to vector<64x1xf32>
    %slice3A_74 = vector.extract_strided_slice %sqrt3A {offsets = [0, 15], sizes = [64, 1], strides = [1, 1]} : vector<64x64xf32> to vector<64x1xf32>
    %slice3A_75 = vector.extract_strided_slice %sqrt3A {offsets = [0, 16], sizes = [64, 1], strides = [1, 1]} : vector<64x64xf32> to vector<64x1xf32>
    %slice3A_76 = vector.extract_strided_slice %sqrt3A {offsets = [0, 17], sizes = [64, 1], strides = [1, 1]} : vector<64x64xf32> to vector<64x1xf32>
    %slice3A_77 = vector.extract_strided_slice %sqrt3A {offsets = [0, 18], sizes = [64, 1], strides = [1, 1]} : vector<64x64xf32> to vector<64x1xf32>
    %slice3A_78 = vector.extract_strided_slice %sqrt3A {offsets = [0, 19], sizes = [64, 1], strides = [1, 1]} : vector<64x64xf32> to vector<64x1xf32>
    %slice3A_79 = vector.extract_strided_slice %sqrt3A {offsets = [0, 20], sizes = [64, 1], strides = [1, 1]} : vector<64x64xf32> to vector<64x1xf32>
    %slice3A_80 = vector.extract_strided_slice %sqrt3A {offsets = [0, 21], sizes = [64, 1], strides = [1, 1]} : vector<64x64xf32> to vector<64x1xf32>
    %slice3A_81 = vector.extract_strided_slice %sqrt3A {offsets = [0, 22], sizes = [64, 1], strides = [1, 1]} : vector<64x64xf32> to vector<64x1xf32>
    %slice3A_82 = vector.extract_strided_slice %sqrt3A {offsets = [0, 23], sizes = [64, 1], strides = [1, 1]} : vector<64x64xf32> to vector<64x1xf32>
    %slice3A_83 = vector.extract_strided_slice %sqrt3A {offsets = [0, 24], sizes = [64, 1], strides = [1, 1]} : vector<64x64xf32> to vector<64x1xf32>
    %slice3A_84 = vector.extract_strided_slice %sqrt3A {offsets = [0, 25], sizes = [64, 1], strides = [1, 1]} : vector<64x64xf32> to vector<64x1xf32>
    %slice3A_85 = vector.extract_strided_slice %sqrt3A {offsets = [0, 26], sizes = [64, 1], strides = [1, 1]} : vector<64x64xf32> to vector<64x1xf32>
    %slice3A_86 = vector.extract_strided_slice %sqrt3A {offsets = [0, 27], sizes = [64, 1], strides = [1, 1]} : vector<64x64xf32> to vector<64x1xf32>
    %slice3A_87 = vector.extract_strided_slice %sqrt3A {offsets = [0, 28], sizes = [64, 1], strides = [1, 1]} : vector<64x64xf32> to vector<64x1xf32>
    %slice3A_88 = vector.extract_strided_slice %sqrt3A {offsets = [0, 29], sizes = [64, 1], strides = [1, 1]} : vector<64x64xf32> to vector<64x1xf32>
    %slice3A_89 = vector.extract_strided_slice %sqrt3A {offsets = [0, 30], sizes = [64, 1], strides = [1, 1]} : vector<64x64xf32> to vector<64x1xf32>
    %slice3A_90 = vector.extract_strided_slice %sqrt3A {offsets = [0, 31], sizes = [64, 1], strides = [1, 1]} : vector<64x64xf32> to vector<64x1xf32>
    %slice3A_91 = vector.extract_strided_slice %sqrt3A {offsets = [0, 32], sizes = [64, 1], strides = [1, 1]} : vector<64x64xf32> to vector<64x1xf32>
    %slice3A_92 = vector.extract_strided_slice %sqrt3A {offsets = [0, 33], sizes = [64, 1], strides = [1, 1]} : vector<64x64xf32> to vector<64x1xf32>
    %slice3A_93 = vector.extract_strided_slice %sqrt3A {offsets = [0, 34], sizes = [64, 1], strides = [1, 1]} : vector<64x64xf32> to vector<64x1xf32>
    %slice3A_94 = vector.extract_strided_slice %sqrt3A {offsets = [0, 35], sizes = [64, 1], strides = [1, 1]} : vector<64x64xf32> to vector<64x1xf32>
    %slice3A_95 = vector.extract_strided_slice %sqrt3A {offsets = [0, 36], sizes = [64, 1], strides = [1, 1]} : vector<64x64xf32> to vector<64x1xf32>
    %slice3A_96 = vector.extract_strided_slice %sqrt3A {offsets = [0, 37], sizes = [64, 1], strides = [1, 1]} : vector<64x64xf32> to vector<64x1xf32>
    %slice3A_97 = vector.extract_strided_slice %sqrt3A {offsets = [0, 38], sizes = [64, 1], strides = [1, 1]} : vector<64x64xf32> to vector<64x1xf32>
    %slice3A_98 = vector.extract_strided_slice %sqrt3A {offsets = [0, 39], sizes = [64, 1], strides = [1, 1]} : vector<64x64xf32> to vector<64x1xf32>
    %slice3A_99 = vector.extract_strided_slice %sqrt3A {offsets = [0, 40], sizes = [64, 1], strides = [1, 1]} : vector<64x64xf32> to vector<64x1xf32>
    %slice3A_100 = vector.extract_strided_slice %sqrt3A {offsets = [0, 41], sizes = [64, 1], strides = [1, 1]} : vector<64x64xf32> to vector<64x1xf32>
    %slice3A_101 = vector.extract_strided_slice %sqrt3A {offsets = [0, 42], sizes = [64, 1], strides = [1, 1]} : vector<64x64xf32> to vector<64x1xf32>
    %slice3A_102 = vector.extract_strided_slice %sqrt3A {offsets = [0, 43], sizes = [64, 1], strides = [1, 1]} : vector<64x64xf32> to vector<64x1xf32>
    %slice3A_103 = vector.extract_strided_slice %sqrt3A {offsets = [0, 44], sizes = [64, 1], strides = [1, 1]} : vector<64x64xf32> to vector<64x1xf32>
    %slice3A_104 = vector.extract_strided_slice %sqrt3A {offsets = [0, 45], sizes = [64, 1], strides = [1, 1]} : vector<64x64xf32> to vector<64x1xf32>
    %slice3A_105 = vector.extract_strided_slice %sqrt3A {offsets = [0, 46], sizes = [64, 1], strides = [1, 1]} : vector<64x64xf32> to vector<64x1xf32>
    %slice3A_106 = vector.extract_strided_slice %sqrt3A {offsets = [0, 47], sizes = [64, 1], strides = [1, 1]} : vector<64x64xf32> to vector<64x1xf32>
    %slice3A_107 = vector.extract_strided_slice %sqrt3A {offsets = [0, 48], sizes = [64, 1], strides = [1, 1]} : vector<64x64xf32> to vector<64x1xf32>
    %slice3A_108 = vector.extract_strided_slice %sqrt3A {offsets = [0, 49], sizes = [64, 1], strides = [1, 1]} : vector<64x64xf32> to vector<64x1xf32>
    %slice3A_109 = vector.extract_strided_slice %sqrt3A {offsets = [0, 50], sizes = [64, 1], strides = [1, 1]} : vector<64x64xf32> to vector<64x1xf32>
    %slice3A_110 = vector.extract_strided_slice %sqrt3A {offsets = [0, 51], sizes = [64, 1], strides = [1, 1]} : vector<64x64xf32> to vector<64x1xf32>
    %slice3A_111 = vector.extract_strided_slice %sqrt3A {offsets = [0, 52], sizes = [64, 1], strides = [1, 1]} : vector<64x64xf32> to vector<64x1xf32>
    %slice3A_112 = vector.extract_strided_slice %sqrt3A {offsets = [0, 53], sizes = [64, 1], strides = [1, 1]} : vector<64x64xf32> to vector<64x1xf32>
    %slice3A_113 = vector.extract_strided_slice %sqrt3A {offsets = [0, 54], sizes = [64, 1], strides = [1, 1]} : vector<64x64xf32> to vector<64x1xf32>
    %slice3A_114 = vector.extract_strided_slice %sqrt3A {offsets = [0, 55], sizes = [64, 1], strides = [1, 1]} : vector<64x64xf32> to vector<64x1xf32>
    %slice3A_115 = vector.extract_strided_slice %sqrt3A {offsets = [0, 56], sizes = [64, 1], strides = [1, 1]} : vector<64x64xf32> to vector<64x1xf32>
    %slice3A_116 = vector.extract_strided_slice %sqrt3A {offsets = [0, 57], sizes = [64, 1], strides = [1, 1]} : vector<64x64xf32> to vector<64x1xf32>
    %slice3A_117 = vector.extract_strided_slice %sqrt3A {offsets = [0, 58], sizes = [64, 1], strides = [1, 1]} : vector<64x64xf32> to vector<64x1xf32>
    %slice3A_118 = vector.extract_strided_slice %sqrt3A {offsets = [0, 59], sizes = [64, 1], strides = [1, 1]} : vector<64x64xf32> to vector<64x1xf32>
    %slice3A_119 = vector.extract_strided_slice %sqrt3A {offsets = [0, 60], sizes = [64, 1], strides = [1, 1]} : vector<64x64xf32> to vector<64x1xf32>
    %slice3A_120 = vector.extract_strided_slice %sqrt3A {offsets = [0, 61], sizes = [64, 1], strides = [1, 1]} : vector<64x64xf32> to vector<64x1xf32>
    %slice3A_121 = vector.extract_strided_slice %sqrt3A {offsets = [0, 62], sizes = [64, 1], strides = [1, 1]} : vector<64x64xf32> to vector<64x1xf32>
    %slice3A_122 = vector.extract_strided_slice %sqrt3A {offsets = [0, 63], sizes = [64, 1], strides = [1, 1]} : vector<64x64xf32> to vector<64x1xf32>
    %concatenate3A = tpu.concatenate %slice3A_59, %slice3A_60, %slice3A_61, %slice3A_62, %slice3A_63, %slice3A_64, %slice3A_65, %slice3A_66, %slice3A_67, %slice3A_68, %slice3A_69, %slice3A_70, %slice3A_71, %slice3A_72, %slice3A_73, %slice3A_74, %slice3A_75, %slice3A_76, %slice3A_77, %slice3A_78, %slice3A_79, %slice3A_80, %slice3A_81, %slice3A_82, %slice3A_83, %slice3A_84, %slice3A_85, %slice3A_86, %slice3A_87, %slice3A_88, %slice3A_89, %slice3A_90, %slice3A_91, %slice3A_92, %slice3A_93, %slice3A_94, %slice3A_95, %slice3A_96, %slice3A_97, %slice3A_98, %slice3A_99, %slice3A_100, %slice3A_101, %slice3A_102, %slice3A_103, %slice3A_104, %slice3A_105, %slice3A_106, %slice3A_107, %slice3A_108, %slice3A_109, %slice3A_110, %slice3A_111, %slice3A_112, %slice3A_113, %slice3A_114, %slice3A_115, %slice3A_116, %slice3A_117, %slice3A_118, %slice3A_119, %slice3A_120, %slice3A_121, %slice3A_122 in 0 : vector<64x1xf32>, vector<64x1xf32>, vector<64x1xf32>, vector<64x1xf32>, vector<64x1xf32>, vector<64x1xf32>, vector<64x1xf32>, vector<64x1xf32>, vector<64x1xf32>, vector<64x1xf32>, vector<64x1xf32>, vector<64x1xf32>, vector<64x1xf32>, vector<64x1xf32>, vector<64x1xf32>, vector<64x1xf32>, vector<64x1xf32>, vector<64x1xf32>, vector<64x1xf32>, vector<64x1xf32>, vector<64x1xf32>, vector<64x1xf32>, vector<64x1xf32>, vector<64x1xf32>, vector<64x1xf32>, vector<64x1xf32>, vector<64x1xf32>, vector<64x1xf32>, vector<64x1xf32>, vector<64x1xf32>, vector<64x1xf32>, vector<64x1xf32>, vector<64x1xf32>, vector<64x1xf32>, vector<64x1xf32>, vector<64x1xf32>, vector<64x1xf32>, vector<64x1xf32>, vector<64x1xf32>, vector<64x1xf32>, vector<64x1xf32>, vector<64x1xf32>, vector<64x1xf32>, vector<64x1xf32>, vector<64x1xf32>, vector<64x1xf32>, vector<64x1xf32>, vector<64x1xf32>, vector<64x1xf32>, vector<64x1xf32>, vector<64x1xf32>, vector<64x1xf32>, vector<64x1xf32>, vector<64x1xf32>, vector<64x1xf32>, vector<64x1xf32>, vector<64x1xf32>, vector<64x1xf32>, vector<64x1xf32>, vector<64x1xf32>, vector<64x1xf32>, vector<64x1xf32>, vector<64x1xf32>, vector<64x1xf32> -> vector<4096x1xf32>
    %slice3A_123 = vector.extract_strided_slice %mul3A_58 {offsets = [0, 0], sizes = [64, 1], strides = [1, 1]} : vector<64x64xf32> to vector<64x1xf32>
    %slice3A_124 = vector.extract_strided_slice %mul3A_58 {offsets = [0, 1], sizes = [64, 1], strides = [1, 1]} : vector<64x64xf32> to vector<64x1xf32>
    %slice3A_125 = vector.extract_strided_slice %mul3A_58 {offsets = [0, 2], sizes = [64, 1], strides = [1, 1]} : vector<64x64xf32> to vector<64x1xf32>
    %slice3A_126 = vector.extract_strided_slice %mul3A_58 {offsets = [0, 3], sizes = [64, 1], strides = [1, 1]} : vector<64x64xf32> to vector<64x1xf32>
    %slice3A_127 = vector.extract_strided_slice %mul3A_58 {offsets = [0, 4], sizes = [64, 1], strides = [1, 1]} : vector<64x64xf32> to vector<64x1xf32>
    %slice3A_128 = vector.extract_strided_slice %mul3A_58 {offsets = [0, 5], sizes = [64, 1], strides = [1, 1]} : vector<64x64xf32> to vector<64x1xf32>
    %slice3A_129 = vector.extract_strided_slice %mul3A_58 {offsets = [0, 6], sizes = [64, 1], strides = [1, 1]} : vector<64x64xf32> to vector<64x1xf32>
    %slice3A_130 = vector.extract_strided_slice %mul3A_58 {offsets = [0, 7], sizes = [64, 1], strides = [1, 1]} : vector<64x64xf32> to vector<64x1xf32>
    %slice3A_131 = vector.extract_strided_slice %mul3A_58 {offsets = [0, 8], sizes = [64, 1], strides = [1, 1]} : vector<64x64xf32> to vector<64x1xf32>
    %slice3A_132 = vector.extract_strided_slice %mul3A_58 {offsets = [0, 9], sizes = [64, 1], strides = [1, 1]} : vector<64x64xf32> to vector<64x1xf32>
    %slice3A_133 = vector.extract_strided_slice %mul3A_58 {offsets = [0, 10], sizes = [64, 1], strides = [1, 1]} : vector<64x64xf32> to vector<64x1xf32>
    %slice3A_134 = vector.extract_strided_slice %mul3A_58 {offsets = [0, 11], sizes = [64, 1], strides = [1, 1]} : vector<64x64xf32> to vector<64x1xf32>
    %slice3A_135 = vector.extract_strided_slice %mul3A_58 {offsets = [0, 12], sizes = [64, 1], strides = [1, 1]} : vector<64x64xf32> to vector<64x1xf32>
    %slice3A_136 = vector.extract_strided_slice %mul3A_58 {offsets = [0, 13], sizes = [64, 1], strides = [1, 1]} : vector<64x64xf32> to vector<64x1xf32>
    %slice3A_137 = vector.extract_strided_slice %mul3A_58 {offsets = [0, 14], sizes = [64, 1], strides = [1, 1]} : vector<64x64xf32> to vector<64x1xf32>
    %slice3A_138 = vector.extract_strided_slice %mul3A_58 {offsets = [0, 15], sizes = [64, 1], strides = [1, 1]} : vector<64x64xf32> to vector<64x1xf32>
    %slice3A_139 = vector.extract_strided_slice %mul3A_58 {offsets = [0, 16], sizes = [64, 1], strides = [1, 1]} : vector<64x64xf32> to vector<64x1xf32>
    %slice3A_140 = vector.extract_strided_slice %mul3A_58 {offsets = [0, 17], sizes = [64, 1], strides = [1, 1]} : vector<64x64xf32> to vector<64x1xf32>
    %slice3A_141 = vector.extract_strided_slice %mul3A_58 {offsets = [0, 18], sizes = [64, 1], strides = [1, 1]} : vector<64x64xf32> to vector<64x1xf32>
    %slice3A_142 = vector.extract_strided_slice %mul3A_58 {offsets = [0, 19], sizes = [64, 1], strides = [1, 1]} : vector<64x64xf32> to vector<64x1xf32>
    %slice3A_143 = vector.extract_strided_slice %mul3A_58 {offsets = [0, 20], sizes = [64, 1], strides = [1, 1]} : vector<64x64xf32> to vector<64x1xf32>
    %slice3A_144 = vector.extract_strided_slice %mul3A_58 {offsets = [0, 21], sizes = [64, 1], strides = [1, 1]} : vector<64x64xf32> to vector<64x1xf32>
    %slice3A_145 = vector.extract_strided_slice %mul3A_58 {offsets = [0, 22], sizes = [64, 1], strides = [1, 1]} : vector<64x64xf32> to vector<64x1xf32>
    %slice3A_146 = vector.extract_strided_slice %mul3A_58 {offsets = [0, 23], sizes = [64, 1], strides = [1, 1]} : vector<64x64xf32> to vector<64x1xf32>
    %slice3A_147 = vector.extract_strided_slice %mul3A_58 {offsets = [0, 24], sizes = [64, 1], strides = [1, 1]} : vector<64x64xf32> to vector<64x1xf32>
    %slice3A_148 = vector.extract_strided_slice %mul3A_58 {offsets = [0, 25], sizes = [64, 1], strides = [1, 1]} : vector<64x64xf32> to vector<64x1xf32>
    %slice3A_149 = vector.extract_strided_slice %mul3A_58 {offsets = [0, 26], sizes = [64, 1], strides = [1, 1]} : vector<64x64xf32> to vector<64x1xf32>
    %slice3A_150 = vector.extract_strided_slice %mul3A_58 {offsets = [0, 27], sizes = [64, 1], strides = [1, 1]} : vector<64x64xf32> to vector<64x1xf32>
    %slice3A_151 = vector.extract_strided_slice %mul3A_58 {offsets = [0, 28], sizes = [64, 1], strides = [1, 1]} : vector<64x64xf32> to vector<64x1xf32>
    %slice3A_152 = vector.extract_strided_slice %mul3A_58 {offsets = [0, 29], sizes = [64, 1], strides = [1, 1]} : vector<64x64xf32> to vector<64x1xf32>
    %slice3A_153 = vector.extract_strided_slice %mul3A_58 {offsets = [0, 30], sizes = [64, 1], strides = [1, 1]} : vector<64x64xf32> to vector<64x1xf32>
    %slice3A_154 = vector.extract_strided_slice %mul3A_58 {offsets = [0, 31], sizes = [64, 1], strides = [1, 1]} : vector<64x64xf32> to vector<64x1xf32>
    %slice3A_155 = vector.extract_strided_slice %mul3A_58 {offsets = [0, 32], sizes = [64, 1], strides = [1, 1]} : vector<64x64xf32> to vector<64x1xf32>
    %slice3A_156 = vector.extract_strided_slice %mul3A_58 {offsets = [0, 33], sizes = [64, 1], strides = [1, 1]} : vector<64x64xf32> to vector<64x1xf32>
    %slice3A_157 = vector.extract_strided_slice %mul3A_58 {offsets = [0, 34], sizes = [64, 1], strides = [1, 1]} : vector<64x64xf32> to vector<64x1xf32>
    %slice3A_158 = vector.extract_strided_slice %mul3A_58 {offsets = [0, 35], sizes = [64, 1], strides = [1, 1]} : vector<64x64xf32> to vector<64x1xf32>
    %slice3A_159 = vector.extract_strided_slice %mul3A_58 {offsets = [0, 36], sizes = [64, 1], strides = [1, 1]} : vector<64x64xf32> to vector<64x1xf32>
    %slice3A_160 = vector.extract_strided_slice %mul3A_58 {offsets = [0, 37], sizes = [64, 1], strides = [1, 1]} : vector<64x64xf32> to vector<64x1xf32>
    %slice3A_161 = vector.extract_strided_slice %mul3A_58 {offsets = [0, 38], sizes = [64, 1], strides = [1, 1]} : vector<64x64xf32> to vector<64x1xf32>
    %slice3A_162 = vector.extract_strided_slice %mul3A_58 {offsets = [0, 39], sizes = [64, 1], strides = [1, 1]} : vector<64x64xf32> to vector<64x1xf32>
    %slice3A_163 = vector.extract_strided_slice %mul3A_58 {offsets = [0, 40], sizes = [64, 1], strides = [1, 1]} : vector<64x64xf32> to vector<64x1xf32>
    %slice3A_164 = vector.extract_strided_slice %mul3A_58 {offsets = [0, 41], sizes = [64, 1], strides = [1, 1]} : vector<64x64xf32> to vector<64x1xf32>
    %slice3A_165 = vector.extract_strided_slice %mul3A_58 {offsets = [0, 42], sizes = [64, 1], strides = [1, 1]} : vector<64x64xf32> to vector<64x1xf32>
    %slice3A_166 = vector.extract_strided_slice %mul3A_58 {offsets = [0, 43], sizes = [64, 1], strides = [1, 1]} : vector<64x64xf32> to vector<64x1xf32>
    %slice3A_167 = vector.extract_strided_slice %mul3A_58 {offsets = [0, 44], sizes = [64, 1], strides = [1, 1]} : vector<64x64xf32> to vector<64x1xf32>
    %slice3A_168 = vector.extract_strided_slice %mul3A_58 {offsets = [0, 45], sizes = [64, 1], strides = [1, 1]} : vector<64x64xf32> to vector<64x1xf32>
    %slice3A_169 = vector.extract_strided_slice %mul3A_58 {offsets = [0, 46], sizes = [64, 1], strides = [1, 1]} : vector<64x64xf32> to vector<64x1xf32>
    %slice3A_170 = vector.extract_strided_slice %mul3A_58 {offsets = [0, 47], sizes = [64, 1], strides = [1, 1]} : vector<64x64xf32> to vector<64x1xf32>
    %slice3A_171 = vector.extract_strided_slice %mul3A_58 {offsets = [0, 48], sizes = [64, 1], strides = [1, 1]} : vector<64x64xf32> to vector<64x1xf32>
    %slice3A_172 = vector.extract_strided_slice %mul3A_58 {offsets = [0, 49], sizes = [64, 1], strides = [1, 1]} : vector<64x64xf32> to vector<64x1xf32>
    %slice3A_173 = vector.extract_strided_slice %mul3A_58 {offsets = [0, 50], sizes = [64, 1], strides = [1, 1]} : vector<64x64xf32> to vector<64x1xf32>
    %slice3A_174 = vector.extract_strided_slice %mul3A_58 {offsets = [0, 51], sizes = [64, 1], strides = [1, 1]} : vector<64x64xf32> to vector<64x1xf32>
    %slice3A_175 = vector.extract_strided_slice %mul3A_58 {offsets = [0, 52], sizes = [64, 1], strides = [1, 1]} : vector<64x64xf32> to vector<64x1xf32>
    %slice3A_176 = vector.extract_strided_slice %mul3A_58 {offsets = [0, 53], sizes = [64, 1], strides = [1, 1]} : vector<64x64xf32> to vector<64x1xf32>
    %slice3A_177 = vector.extract_strided_slice %mul3A_58 {offsets = [0, 54], sizes = [64, 1], strides = [1, 1]} : vector<64x64xf32> to vector<64x1xf32>
    %slice3A_178 = vector.extract_strided_slice %mul3A_58 {offsets = [0, 55], sizes = [64, 1], strides = [1, 1]} : vector<64x64xf32> to vector<64x1xf32>
    %slice3A_179 = vector.extract_strided_slice %mul3A_58 {offsets = [0, 56], sizes = [64, 1], strides = [1, 1]} : vector<64x64xf32> to vector<64x1xf32>
    %slice3A_180 = vector.extract_strided_slice %mul3A_58 {offsets = [0, 57], sizes = [64, 1], strides = [1, 1]} : vector<64x64xf32> to vector<64x1xf32>
    %slice3A_181 = vector.extract_strided_slice %mul3A_58 {offsets = [0, 58], sizes = [64, 1], strides = [1, 1]} : vector<64x64xf32> to vector<64x1xf32>
    %slice3A_182 = vector.extract_strided_slice %mul3A_58 {offsets = [0, 59], sizes = [64, 1], strides = [1, 1]} : vector<64x64xf32> to vector<64x1xf32>
    %slice3A_183 = vector.extract_strided_slice %mul3A_58 {offsets = [0, 60], sizes = [64, 1], strides = [1, 1]} : vector<64x64xf32> to vector<64x1xf32>
    %slice3A_184 = vector.extract_strided_slice %mul3A_58 {offsets = [0, 61], sizes = [64, 1], strides = [1, 1]} : vector<64x64xf32> to vector<64x1xf32>
    %slice3A_185 = vector.extract_strided_slice %mul3A_58 {offsets = [0, 62], sizes = [64, 1], strides = [1, 1]} : vector<64x64xf32> to vector<64x1xf32>
    %slice3A_186 = vector.extract_strided_slice %mul3A_58 {offsets = [0, 63], sizes = [64, 1], strides = [1, 1]} : vector<64x64xf32> to vector<64x1xf32>
    %concatenate3A_187 = tpu.concatenate %slice3A_123, %slice3A_124, %slice3A_125, %slice3A_126, %slice3A_127, %slice3A_128, %slice3A_129, %slice3A_130, %slice3A_131, %slice3A_132, %slice3A_133, %slice3A_134, %slice3A_135, %slice3A_136, %slice3A_137, %slice3A_138, %slice3A_139, %slice3A_140, %slice3A_141, %slice3A_142, %slice3A_143, %slice3A_144, %slice3A_145, %slice3A_146, %slice3A_147, %slice3A_148, %slice3A_149, %slice3A_150, %slice3A_151, %slice3A_152, %slice3A_153, %slice3A_154, %slice3A_155, %slice3A_156, %slice3A_157, %slice3A_158, %slice3A_159, %slice3A_160, %slice3A_161, %slice3A_162, %slice3A_163, %slice3A_164, %slice3A_165, %slice3A_166, %slice3A_167, %slice3A_168, %slice3A_169, %slice3A_170, %slice3A_171, %slice3A_172, %slice3A_173, %slice3A_174, %slice3A_175, %slice3A_176, %slice3A_177, %slice3A_178, %slice3A_179, %slice3A_180, %slice3A_181, %slice3A_182, %slice3A_183, %slice3A_184, %slice3A_185, %slice3A_186 in 0 : vector<64x1xf32>, vector<64x1xf32>, vector<64x1xf32>, vector<64x1xf32>, vector<64x1xf32>, vector<64x1xf32>, vector<64x1xf32>, vector<64x1xf32>, vector<64x1xf32>, vector<64x1xf32>, vector<64x1xf32>, vector<64x1xf32>, vector<64x1xf32>, vector<64x1xf32>, vector<64x1xf32>, vector<64x1xf32>, vector<64x1xf32>, vector<64x1xf32>, vector<64x1xf32>, vector<64x1xf32>, vector<64x1xf32>, vector<64x1xf32>, vector<64x1xf32>, vector<64x1xf32>, vector<64x1xf32>, vector<64x1xf32>, vector<64x1xf32>, vector<64x1xf32>, vector<64x1xf32>, vector<64x1xf32>, vector<64x1xf32>, vector<64x1xf32>, vector<64x1xf32>, vector<64x1xf32>, vector<64x1xf32>, vector<64x1xf32>, vector<64x1xf32>, vector<64x1xf32>, vector<64x1xf32>, vector<64x1xf32>, vector<64x1xf32>, vector<64x1xf32>, vector<64x1xf32>, vector<64x1xf32>, vector<64x1xf32>, vector<64x1xf32>, vector<64x1xf32>, vector<64x1xf32>, vector<64x1xf32>, vector<64x1xf32>, vector<64x1xf32>, vector<64x1xf32>, vector<64x1xf32>, vector<64x1xf32>, vector<64x1xf32>, vector<64x1xf32>, vector<64x1xf32>, vector<64x1xf32>, vector<64x1xf32>, vector<64x1xf32>, vector<64x1xf32>, vector<64x1xf32>, vector<64x1xf32>, vector<64x1xf32> -> vector<4096x1xf32>
    %concatenate3A_188 = tpu.concatenate %concatenate3A, %concatenate3A_187 in 1 : vector<4096x1xf32>, vector<4096x1xf32> -> vector<4096x2xf32>
    %swap3A = arith.constant 0 : index
    %swap3A_189 = arith.constant 0 : index
    %swap3A_190 = vector.load %arg8[%swap3A, %swap3A_189] : memref<4096x2xf32, #tpu.memory_space<vmem>>, vector<4096x2xf32>
    tpu.vector_store %arg8[%swap3A, %swap3A_189], %concatenate3A_188 {strides = array<i32>} : memref<4096x2xf32, #tpu.memory_space<vmem>>, vector<4096x2xf32>,
    return
  }
  func.func @transform_0(%arg0: i32, %arg1: memref<4096xi32, #tpu.memory_space<smem>>, %arg2: memref<4096xi32, #tpu.memory_space<smem>>, %arg3: memref<1xi32, #tpu.memory_space<smem>>) -> (i32, i32) {
    %get3A = arith.index_cast %arg0 : i32 to index
    %get3A_0 = memref.load %arg2[%get3A] : memref<4096xi32, #tpu.memory_space<smem>>
    %c0_i32 = arith.constant 0 : i32
    %c0_i32_1 = arith.constant 0 : i32
    return %get3A_0, %c0_i32 : i32, i32
  }
  func.func @transform_1(%arg0: i32, %arg1: memref<4096xi32, #tpu.memory_space<smem>>, %arg2: memref<4096xi32, #tpu.memory_space<smem>>, %arg3: memref<1xi32, #tpu.memory_space<smem>>) -> (i32, i32, i32) {
    %get3A = arith.index_cast %arg0 : i32 to index
    %get3A_0 = memref.load %arg1[%get3A] : memref<4096xi32, #tpu.memory_space<smem>>
    %c0_i32 = arith.constant 0 : i32
    %c0_i32_1 = arith.constant 0 : i32
    %c0_i32_2 = arith.constant 0 : i32
    return %get3A_0, %c0_i32, %c0_i32_1 : i32, i32, i32
  }
  func.func @transform_2(%arg0: i32, %arg1: memref<4096xi32, #tpu.memory_space<smem>>, %arg2: memref<4096xi32, #tpu.memory_space<smem>>, %arg3: memref<1xi32, #tpu.memory_space<smem>>) -> (i32, i32) {
    %get3A = arith.index_cast %arg0 : i32 to index
    %get3A_0 = memref.load %arg2[%get3A] : memref<4096xi32, #tpu.memory_space<smem>>
    %c0_i32 = arith.constant 0 : i32
    %c0_i32_1 = arith.constant 0 : i32
    return %get3A_0, %c0_i32 : i32, i32
  }
  func.func @transform_3(%arg0: i32, %arg1: memref<4096xi32, #tpu.memory_space<smem>>, %arg2: memref<4096xi32, #tpu.memory_space<smem>>, %arg3: memref<1xi32, #tpu.memory_space<smem>>) -> (i32, i32, i32) {
    %get3A = arith.index_cast %arg0 : i32 to index
    %get3A_0 = memref.load %arg1[%get3A] : memref<4096xi32, #tpu.memory_space<smem>>
    %c0_i32 = arith.constant 0 : i32
    %c0_i32_1 = arith.constant 0 : i32
    %c0_i32_2 = arith.constant 0 : i32
    return %get3A_0, %c0_i32, %c0_i32_1 : i32, i32, i32
  }
  func.func @transform_4(%arg0: i32, %arg1: memref<4096xi32, #tpu.memory_space<smem>>, %arg2: memref<4096xi32, #tpu.memory_space<smem>>, %arg3: memref<1xi32, #tpu.memory_space<smem>>) -> (i32, i32) {
    %c0_i32 = arith.constant 0 : i32
    %c0_i32_0 = arith.constant 0 : i32
    return %arg0, %c0_i32 : i32, i32
  }
}

module attributes {stable_mosaic.version = 14 : i64} {
  func.func @_layer_kernel(%arg0: i32, %arg1: memref<4096xi32, #tpu.memory_space<smem>>, %arg2: memref<4096xi32, #tpu.memory_space<smem>>, %arg3: memref<1xi32, #tpu.memory_space<smem>>, %arg4: memref<64x128xf32, #tpu.memory_space<vmem>>, %arg5: memref<64x128xf32, #tpu.memory_space<vmem>>, %arg6: memref<4096x128xf32, #tpu.memory_space<vmem>>, %arg7: memref<4096x2xf32, #tpu.memory_space<vmem>>, %arg8: memref<128x128xf32, #tpu.memory_space<vmem>>, %arg9: memref<64x128xf32, #tpu.memory_space<vmem>>, %arg10: memref<1x128xf32, #tpu.memory_space<vmem>>, %arg11: memref<128x128xf32, #tpu.memory_space<vmem>>, %arg12: memref<1x128xf32, #tpu.memory_space<vmem>>, %arg13: memref<128x128xf32, #tpu.memory_space<vmem>>, %arg14: memref<1x128xf32, #tpu.memory_space<vmem>>, %arg15: memref<128x128xf32, #tpu.memory_space<vmem>>, %arg16: memref<1x128xf32, #tpu.memory_space<vmem>>, %arg17: memref<4096x128xf32, #tpu.memory_space<vmem>>, %arg18: memref<4096x128xf32, #tpu.memory_space<vmem>>) attributes {dimension_semantics = [#tpu.dimension_semantics<arbitrary>], iteration_bounds = array<i64: -9223372036854775808>, scalar_prefetch = 3 : i64, scratch_operands = 1 : i64, tpu.core_type = #tpu.core_type<tc>, window_params = [{transform_indices = @transform_0, window_bounds = array<i64: 64, 128>}, {transform_indices = @transform_1, window_bounds = array<i64: 64, 128>}, {pipeline_mode = #tpu.pipeline_mode<synchronous>, transform_indices = @transform_2, window_bounds = array<i64: 4096, 128>}, {transform_indices = @transform_3, window_bounds = array<i64: 4096, 2>}, {pipeline_mode = #tpu.pipeline_mode<synchronous>, transform_indices = @transform_4, window_bounds = array<i64: 128, 128>}, {pipeline_mode = #tpu.pipeline_mode<synchronous>, transform_indices = @transform_5, window_bounds = array<i64: 64, 128>}, {pipeline_mode = #tpu.pipeline_mode<synchronous>, transform_indices = @transform_6, window_bounds = array<i64: 1, 128>}, {pipeline_mode = #tpu.pipeline_mode<synchronous>, transform_indices = @transform_7, window_bounds = array<i64: 128, 128>}, {pipeline_mode = #tpu.pipeline_mode<synchronous>, transform_indices = @transform_8, window_bounds = array<i64: 1, 128>}, {pipeline_mode = #tpu.pipeline_mode<synchronous>, transform_indices = @transform_9, window_bounds = array<i64: 128, 128>}, {pipeline_mode = #tpu.pipeline_mode<synchronous>, transform_indices = @transform_10, window_bounds = array<i64: 1, 128>}, {pipeline_mode = #tpu.pipeline_mode<synchronous>, transform_indices = @transform_11, window_bounds = array<i64: 128, 128>}, {pipeline_mode = #tpu.pipeline_mode<synchronous>, transform_indices = @transform_12, window_bounds = array<i64: 1, 128>}, {pipeline_mode = #tpu.pipeline_mode<synchronous>, transform_indices = @transform_13, window_bounds = array<i64: 4096, 128>}]} {
    %get3A = arith.constant 0 : index
    %get3A_0 = memref.load %arg3[%get3A] : memref<1xi32, #tpu.memory_space<smem>>
    %get3A_1 = arith.index_cast %arg0 : i32 to index
    %get3A_2 = memref.load %arg1[%get3A_1] : memref<4096xi32, #tpu.memory_space<smem>>
    %get3A_3 = arith.index_cast %arg0 : i32 to index
    %get3A_4 = memref.load %arg2[%get3A_3] : memref<4096xi32, #tpu.memory_space<smem>>
    %eq3A = arith.constant 0 : i32
    %eq3A_5 = arith.cmpi eq, %arg0, %eq3A : i32
    %convert_element_type3A = arith.extui %eq3A_5 : i1 to i32
    %cond3A = arith.constant 0 : i32
    %cond3A_6 = arith.cmpi ne, %convert_element_type3A, %cond3A : i32
    scf.if %cond3A_6 {
      %broadcast_in_dim3A_86 = arith.constant 0.000000e+00 : f32
      %broadcast_in_dim3A_87 = vector.broadcast %broadcast_in_dim3A_86 : f32 to vector<4096x128xf32>
      %swap3A_88 = arith.constant 0 : index
      %swap3A_89 = arith.constant 0 : index
      %swap3A_90 = vector.load %arg18[%swap3A_88, %swap3A_89] : memref<4096x128xf32, #tpu.memory_space<vmem>>, vector<4096x128xf32>
      tpu.vector_store %arg18[%swap3A_88, %swap3A_89], %broadcast_in_dim3A_87 {strides = array<i32>} : memref<4096x128xf32, #tpu.memory_space<vmem>>, vector<4096x128xf32>,
    } else {
    }
    %get3A_7 = arith.constant 0 : index
    %get3A_8 = arith.constant 0 : index
    %get3A_9 = vector.load %arg4[%get3A_7, %get3A_8] : memref<64x128xf32, #tpu.memory_space<vmem>>, vector<64x128xf32>
    %get3A_10 = arith.constant 0 : index
    %get3A_11 = arith.constant 0 : index
    %get3A_12 = vector.load %arg8[%get3A_10, %get3A_11] : memref<128x128xf32, #tpu.memory_space<vmem>>, vector<128x128xf32>
    %dot_general3A = arith.constant dense<0.000000e+00> : vector<64x128xf32>
    %dot_general3A_13 = tpu.matmul %get3A_9, %get3A_12, %dot_general3A {dimension_numbers = #tpu.dot_dimension_numbers<[1], [0], [0], [1], [0, 0, 1, 1], [], []>, transpose_lhs_hint = false} : vector<64x128xf32>, vector<128x128xf32>, vector<64x128xf32> -> vector<64x128xf32>
    %iota3A = tpu.iota {dimensions = array<i32: 1>} : vector<1x64xi32>
    %lt3A = arith.constant 50 : i32
    %lt3A_14 = vector.broadcast %lt3A : i32 to vector<1x64xi32>
    %lt3A_15 = arith.cmpi slt, %iota3A, %lt3A_14 : vector<1x64xi32>
    %convert_element_type3A_16 = arith.sitofp %iota3A : vector<1x64xi32> to vector<1x64xf32>
    %mul3A = arith.constant 0.20408164 : f32
    %mul3A_17 = vector.broadcast %mul3A : f32 to vector<1x64xf32>
    %mul3A_18 = arith.mulf %convert_element_type3A_16, %mul3A_17 : vector<1x64xf32>
    %jit3A = arith.constant 0.000000e+00 : f32
    %broadcast_in_dim3A = vector.broadcast %jit3A : f32 to vector<1x64xf32>
    %select_n3A = arith.select %lt3A_15, %mul3A_18, %broadcast_in_dim3A : vector<1x64xi1>, vector<1x64xf32>
    %get3A_19 = arith.constant 0 : index
    %get3A_20 = arith.constant 0 : index
    %get3A_21 = vector.load %arg7[%get3A_19, %get3A_20] : memref<4096x2xf32, #tpu.memory_space<vmem>>, vector<4096x1xf32>
    %sub3A = vector.broadcast %get3A_21 : vector<4096x1xf32> to vector<4096x64xf32>
    %sub3A_22 = vector.broadcast %select_n3A : vector<1x64xf32> to vector<4096x64xf32>
    %sub3A_23 = arith.subf %sub3A, %sub3A_22 : vector<4096x64xf32>
    %integer_pow3A = arith.mulf %sub3A_23, %sub3A_23 : vector<4096x64xf32>
    %mul3A_24 = arith.constant -1.200500e+01 : f32
    %mul3A_25 = vector.broadcast %mul3A_24 : f32 to vector<4096x64xf32>
    %mul3A_26 = arith.mulf %mul3A_25, %integer_pow3A : vector<4096x64xf32>
    %exp3A = math.exp %mul3A_26 : vector<4096x64xf32>
    %get3A_27 = arith.constant 0 : index
    %get3A_28 = arith.constant 0 : index
    %get3A_29 = vector.load %arg9[%get3A_27, %get3A_28] : memref<64x128xf32, #tpu.memory_space<vmem>>, vector<64x128xf32>
    %dot_general3A_30 = arith.constant dense<0.000000e+00> : vector<4096x128xf32>
    %dot_general3A_31 = tpu.matmul %exp3A, %get3A_29, %dot_general3A_30 {dimension_numbers = #tpu.dot_dimension_numbers<[1], [0], [0], [1], [0, 0, 1, 1], [], []>, transpose_lhs_hint = false} : vector<4096x64xf32>, vector<64x128xf32>, vector<4096x128xf32> -> vector<4096x128xf32>
    %get3A_32 = arith.constant 0 : index
    %get3A_33 = arith.constant 0 : index
    %get3A_34 = vector.load %arg10[%get3A_32, %get3A_33] : memref<1x128xf32, #tpu.memory_space<vmem>>, vector<1x128xf32>
    %add3A = vector.broadcast %get3A_34 : vector<1x128xf32> to vector<4096x128xf32>
    %add3A_35 = arith.addf %dot_general3A_31, %add3A : vector<4096x128xf32>
    %custom_jvp_call3A = arith.constant 0.000000e+00 : f32
    %max3A = vector.broadcast %custom_jvp_call3A : f32 to vector<4096x128xf32>
    %max3A_36 = arith.maximumf %add3A_35, %max3A : vector<4096x128xf32>
    %sub3A_37 = vector.broadcast %custom_jvp_call3A : f32 to vector<4096x128xf32>
    %sub3A_38 = arith.subf %add3A_35, %sub3A_37 : vector<4096x128xf32>
    %ne3A = arith.cmpf one, %sub3A_38, %sub3A_38 : vector<4096x128xf32>
    %add3A_39 = vector.broadcast %custom_jvp_call3A : f32 to vector<4096x128xf32>
    %add3A_40 = arith.addf %add3A_35, %add3A_39 : vector<4096x128xf32>
    %abs3A = math.absf %sub3A_38 : vector<4096x128xf32>
    %neg3A = arith.constant 0.000000e+00 : f32
    %neg3A_41 = vector.broadcast %neg3A : f32 to vector<4096x128xf32>
    %neg3A_42 = arith.subf %neg3A_41, %abs3A : vector<4096x128xf32>
    %exp3A_43 = math.exp %neg3A_42 : vector<4096x128xf32>
    %log1p3A = math.log1p %exp3A_43 : vector<4096x128xf32>
    %add3A_44 = arith.addf %max3A_36, %log1p3A : vector<4096x128xf32>
    %select_n3A_45 = arith.select %ne3A, %add3A_40, %add3A_44 : vector<4096x128xi1>, vector<4096x128xf32>
    %sub3A_46 = arith.constant 0.693147182 : f32
    %sub3A_47 = vector.broadcast %sub3A_46 : f32 to vector<4096x128xf32>
    %sub3A_48 = arith.subf %select_n3A_45, %sub3A_47 : vector<4096x128xf32>
    %get3A_49 = arith.constant 0 : index
    %get3A_50 = arith.constant 0 : index
    %get3A_51 = vector.load %arg11[%get3A_49, %get3A_50] : memref<128x128xf32, #tpu.memory_space<vmem>>, vector<128x128xf32>
    %dot_general3A_52 = arith.constant dense<0.000000e+00> : vector<4096x128xf32>
    %dot_general3A_53 = tpu.matmul %sub3A_48, %get3A_51, %dot_general3A_52 {dimension_numbers = #tpu.dot_dimension_numbers<[1], [0], [0], [1], [0, 0, 1, 1], [], []>, transpose_lhs_hint = false} : vector<4096x128xf32>, vector<128x128xf32>, vector<4096x128xf32> -> vector<4096x128xf32>
    %get3A_54 = arith.constant 0 : index
    %get3A_55 = arith.constant 0 : index
    %get3A_56 = vector.load %arg12[%get3A_54, %get3A_55] : memref<1x128xf32, #tpu.memory_space<vmem>>, vector<1x128xf32>
    %add3A_57 = vector.broadcast %get3A_56 : vector<1x128xf32> to vector<4096x128xf32>
    %add3A_58 = arith.addf %dot_general3A_53, %add3A_57 : vector<4096x128xf32>
    %get3A_59 = arith.constant 0 : index
    %get3A_60 = arith.constant 1 : index
    %get3A_61 = vector.load %arg7[%get3A_59, %get3A_60] : memref<4096x2xf32, #tpu.memory_space<vmem>>, vector<4096x1xf32>
    %mul3A_62 = vector.broadcast %get3A_61 : vector<4096x1xf32> to vector<4096x128xf32>
    %mul3A_63 = arith.mulf %add3A_58, %mul3A_62 : vector<4096x128xf32>
    %reshape3A = vector.shape_cast %mul3A_63 : vector<4096x128xf32> to vector<64x64x128xf32>
    %broadcast_in_dim3A_64 = vector.shape_cast %dot_general3A_13 : vector<64x128xf32> to vector<64x1x128xf32>
    %mul3A_65 = vector.broadcast %broadcast_in_dim3A_64 : vector<64x1x128xf32> to vector<64x64x128xf32>
    %mul3A_66 = arith.mulf %reshape3A, %mul3A_65 : vector<64x64x128xf32>
    %reduce_sum3A = arith.constant dense<0.000000e+00> : vector<64x128xf32>
    %reduce_sum3A_67 = vector.multi_reduction <add>, %mul3A_66, %reduce_sum3A [0] : vector<64x64x128xf32> to vector<64x128xf32>
    %mul3A_68 = arith.constant 64 : i32
    %mul3A_69 = arith.muli %get3A_4, %mul3A_68 : i32
    %get3A_70 = arith.index_cast %mul3A_69 : i32 to index
    %get3A_71 = arith.constant 0 : index
    %get3A_72 = vector.load %arg18[%get3A_70, %get3A_71] : memref<4096x128xf32, #tpu.memory_space<vmem>>, vector<64x128xf32>
    %add3A_73 = arith.addf %get3A_72, %reduce_sum3A_67 : vector<64x128xf32>
    %swap3A = arith.index_cast %mul3A_69 : i32 to index
    %swap3A_74 = arith.constant 0 : index
    %swap3A_75 = vector.load %arg18[%swap3A, %swap3A_74] : memref<4096x128xf32, #tpu.memory_space<vmem>>, vector<64x128xf32>
    tpu.vector_store %arg18[%swap3A, %swap3A_74], %add3A_73 {strides = array<i32>} : memref<4096x128xf32, #tpu.memory_space<vmem>>, vector<64x128xf32>,
    %ne3A_76 = arith.cmpi ne, %get3A_2, %get3A_4 : i32
    %convert_element_type3A_77 = arith.extui %ne3A_76 : i1 to i32
    %cond3A_78 = arith.constant 0 : i32
    %cond3A_79 = arith.cmpi ne, %convert_element_type3A_77, %cond3A_78 : i32
    scf.if %cond3A_79 {
      %get3A_86 = arith.constant 0 : index
      %get3A_87 = arith.constant 0 : index
      %get3A_88 = vector.load %arg5[%get3A_86, %get3A_87] : memref<64x128xf32, #tpu.memory_space<vmem>>, vector<64x128xf32>
      %get3A_89 = arith.constant 0 : index
      %get3A_90 = arith.constant 0 : index
      %get3A_91 = vector.load %arg8[%get3A_89, %get3A_90] : memref<128x128xf32, #tpu.memory_space<vmem>>, vector<128x128xf32>
      %dot_general3A_92 = arith.constant dense<0.000000e+00> : vector<64x128xf32>
      %dot_general3A_93 = tpu.matmul %get3A_88, %get3A_91, %dot_general3A_92 {dimension_numbers = #tpu.dot_dimension_numbers<[1], [0], [0], [1], [0, 0, 1, 1], [], []>, transpose_lhs_hint = false} : vector<64x128xf32>, vector<128x128xf32>, vector<64x128xf32> -> vector<64x128xf32>
      %broadcast_in_dim3A_94 = vector.shape_cast %dot_general3A_93 : vector<64x128xf32> to vector<1x64x128xf32>
      %mul3A_95 = vector.broadcast %broadcast_in_dim3A_94 : vector<1x64x128xf32> to vector<64x64x128xf32>
      %mul3A_96 = arith.mulf %reshape3A, %mul3A_95 : vector<64x64x128xf32>
      %reduce_sum3A_97 = arith.constant dense<0.000000e+00> : vector<64x128xf32>
      %reduce_sum3A_98 = vector.multi_reduction <add>, %mul3A_96, %reduce_sum3A_97 [1] : vector<64x64x128xf32> to vector<64x128xf32>
      %mul3A_99 = arith.constant 64 : i32
      %mul3A_100 = arith.muli %get3A_2, %mul3A_99 : i32
      %get3A_101 = arith.index_cast %mul3A_100 : i32 to index
      %get3A_102 = arith.constant 0 : index
      %get3A_103 = vector.load %arg18[%get3A_101, %get3A_102] : memref<4096x128xf32, #tpu.memory_space<vmem>>, vector<64x128xf32>
      %add3A_104 = arith.addf %get3A_103, %reduce_sum3A_98 : vector<64x128xf32>
      %swap3A_105 = arith.index_cast %mul3A_100 : i32 to index
      %swap3A_106 = arith.constant 0 : index
      %swap3A_107 = vector.load %arg18[%swap3A_105, %swap3A_106] : memref<4096x128xf32, #tpu.memory_space<vmem>>, vector<64x128xf32>
      tpu.vector_store %arg18[%swap3A_105, %swap3A_106], %add3A_104 {strides = array<i32>} : memref<4096x128xf32, #tpu.memory_space<vmem>>, vector<64x128xf32>,
    } else {
    }
    %sub3A_80 = arith.constant 1 : i32
    %sub3A_81 = arith.subi %get3A_0, %sub3A_80 : i32
    %eq3A_82 = arith.cmpi eq, %arg0, %sub3A_81 : i32
    %convert_element_type3A_83 = arith.extui %eq3A_82 : i1 to i32
    %cond3A_84 = arith.constant 0 : i32
    %cond3A_85 = arith.cmpi ne, %convert_element_type3A_83, %cond3A_84 : i32
    scf.if %cond3A_85 {
      %get3A_86 = arith.constant 0 : index
      %get3A_87 = arith.constant 0 : index
      %get3A_88 = vector.load %arg18[%get3A_86, %get3A_87] : memref<4096x128xf32, #tpu.memory_space<vmem>>, vector<4096x128xf32>
      %get3A_89 = arith.constant 0 : index
      %get3A_90 = arith.constant 0 : index
      %get3A_91 = vector.load %arg13[%get3A_89, %get3A_90] : memref<128x128xf32, #tpu.memory_space<vmem>>, vector<128x128xf32>
      %dot_general3A_92 = arith.constant dense<0.000000e+00> : vector<4096x128xf32>
      %dot_general3A_93 = tpu.matmul %get3A_88, %get3A_91, %dot_general3A_92 {dimension_numbers = #tpu.dot_dimension_numbers<[1], [0], [0], [1], [0, 0, 1, 1], [], []>, transpose_lhs_hint = false} : vector<4096x128xf32>, vector<128x128xf32>, vector<4096x128xf32> -> vector<4096x128xf32>
      %get3A_94 = arith.constant 0 : index
      %get3A_95 = arith.constant 0 : index
      %get3A_96 = vector.load %arg14[%get3A_94, %get3A_95] : memref<1x128xf32, #tpu.memory_space<vmem>>, vector<1x128xf32>
      %add3A_97 = vector.broadcast %get3A_96 : vector<1x128xf32> to vector<4096x128xf32>
      %add3A_98 = arith.addf %dot_general3A_93, %add3A_97 : vector<4096x128xf32>
      %custom_jvp_call3A_99 = arith.constant 0.000000e+00 : f32
      %max3A_100 = vector.broadcast %custom_jvp_call3A_99 : f32 to vector<4096x128xf32>
      %max3A_101 = arith.maximumf %add3A_98, %max3A_100 : vector<4096x128xf32>
      %sub3A_102 = vector.broadcast %custom_jvp_call3A_99 : f32 to vector<4096x128xf32>
      %sub3A_103 = arith.subf %add3A_98, %sub3A_102 : vector<4096x128xf32>
      %ne3A_104 = arith.cmpf one, %sub3A_103, %sub3A_103 : vector<4096x128xf32>
      %add3A_105 = vector.broadcast %custom_jvp_call3A_99 : f32 to vector<4096x128xf32>
      %add3A_106 = arith.addf %add3A_98, %add3A_105 : vector<4096x128xf32>
      %abs3A_107 = math.absf %sub3A_103 : vector<4096x128xf32>
      %neg3A_108 = arith.constant 0.000000e+00 : f32
      %neg3A_109 = vector.broadcast %neg3A_108 : f32 to vector<4096x128xf32>
      %neg3A_110 = arith.subf %neg3A_109, %abs3A_107 : vector<4096x128xf32>
      %exp3A_111 = math.exp %neg3A_110 : vector<4096x128xf32>
      %log1p3A_112 = math.log1p %exp3A_111 : vector<4096x128xf32>
      %add3A_113 = arith.addf %max3A_101, %log1p3A_112 : vector<4096x128xf32>
      %select_n3A_114 = arith.select %ne3A_104, %add3A_106, %add3A_113 : vector<4096x128xi1>, vector<4096x128xf32>
      %sub3A_115 = arith.constant 0.693147182 : f32
      %sub3A_116 = vector.broadcast %sub3A_115 : f32 to vector<4096x128xf32>
      %sub3A_117 = arith.subf %select_n3A_114, %sub3A_116 : vector<4096x128xf32>
      %get3A_118 = arith.constant 0 : index
      %get3A_119 = arith.constant 0 : index
      %get3A_120 = vector.load %arg15[%get3A_118, %get3A_119] : memref<128x128xf32, #tpu.memory_space<vmem>>, vector<128x128xf32>
      %dot_general3A_121 = arith.constant dense<0.000000e+00> : vector<4096x128xf32>
      %dot_general3A_122 = tpu.matmul %sub3A_117, %get3A_120, %dot_general3A_121 {dimension_numbers = #tpu.dot_dimension_numbers<[1], [0], [0], [1], [0, 0, 1, 1], [], []>, transpose_lhs_hint = false} : vector<4096x128xf32>, vector<128x128xf32>, vector<4096x128xf32> -> vector<4096x128xf32>
      %get3A_123 = arith.constant 0 : index
      %get3A_124 = arith.constant 0 : index
      %get3A_125 = vector.load %arg16[%get3A_123, %get3A_124] : memref<1x128xf32, #tpu.memory_space<vmem>>, vector<1x128xf32>
      %add3A_126 = vector.broadcast %get3A_125 : vector<1x128xf32> to vector<4096x128xf32>
      %add3A_127 = arith.addf %dot_general3A_122, %add3A_126 : vector<4096x128xf32>
      %get3A_128 = arith.constant 0 : index
      %get3A_129 = arith.constant 0 : index
      %get3A_130 = vector.load %arg6[%get3A_128, %get3A_129] : memref<4096x128xf32, #tpu.memory_space<vmem>>, vector<4096x128xf32>
      %add3A_131 = arith.addf %get3A_130, %add3A_127 : vector<4096x128xf32>
      %swap3A_132 = arith.constant 0 : index
      %swap3A_133 = arith.constant 0 : index
      %swap3A_134 = vector.load %arg17[%swap3A_132, %swap3A_133] : memref<4096x128xf32, #tpu.memory_space<vmem>>, vector<4096x128xf32>
      tpu.vector_store %arg17[%swap3A_132, %swap3A_133], %add3A_131 {strides = array<i32>} : memref<4096x128xf32, #tpu.memory_space<vmem>>, vector<4096x128xf32>,
    } else {
    }
    return
  }
  func.func @transform_0(%arg0: i32, %arg1: memref<4096xi32, #tpu.memory_space<smem>>, %arg2: memref<4096xi32, #tpu.memory_space<smem>>, %arg3: memref<1xi32, #tpu.memory_space<smem>>) -> (i32, i32) {
    %get3A = arith.index_cast %arg0 : i32 to index
    %get3A_0 = memref.load %arg1[%get3A] : memref<4096xi32, #tpu.memory_space<smem>>
    %c0_i32 = arith.constant 0 : i32
    %c0_i32_1 = arith.constant 0 : i32
    return %get3A_0, %c0_i32 : i32, i32
  }
  func.func @transform_1(%arg0: i32, %arg1: memref<4096xi32, #tpu.memory_space<smem>>, %arg2: memref<4096xi32, #tpu.memory_space<smem>>, %arg3: memref<1xi32, #tpu.memory_space<smem>>) -> (i32, i32) {
    %get3A = arith.index_cast %arg0 : i32 to index
    %get3A_0 = memref.load %arg2[%get3A] : memref<4096xi32, #tpu.memory_space<smem>>
    %c0_i32 = arith.constant 0 : i32
    %c0_i32_1 = arith.constant 0 : i32
    return %get3A_0, %c0_i32 : i32, i32
  }
  func.func @transform_2(%arg0: i32, %arg1: memref<4096xi32, #tpu.memory_space<smem>>, %arg2: memref<4096xi32, #tpu.memory_space<smem>>, %arg3: memref<1xi32, #tpu.memory_space<smem>>) -> (i32, i32) {
    %c0_i32 = arith.constant 0 : i32
    %c0_i32_0 = arith.constant 0 : i32
    %c0_i32_1 = arith.constant 0 : i32
    return %c0_i32, %c0_i32_0 : i32, i32
  }
  func.func @transform_3(%arg0: i32, %arg1: memref<4096xi32, #tpu.memory_space<smem>>, %arg2: memref<4096xi32, #tpu.memory_space<smem>>, %arg3: memref<1xi32, #tpu.memory_space<smem>>) -> (i32, i32) {
    %c0_i32 = arith.constant 0 : i32
    %c0_i32_0 = arith.constant 0 : i32
    return %arg0, %c0_i32 : i32, i32
  }
  func.func @transform_4(%arg0: i32, %arg1: memref<4096xi32, #tpu.memory_space<smem>>, %arg2: memref<4096xi32, #tpu.memory_space<smem>>, %arg3: memref<1xi32, #tpu.memory_space<smem>>) -> (i32, i32) {
    %c0_i32 = arith.constant 0 : i32
    %c0_i32_0 = arith.constant 0 : i32
    %c0_i32_1 = arith.constant 0 : i32
    return %c0_i32, %c0_i32_0 : i32, i32
  }
  func.func @transform_5(%arg0: i32, %arg1: memref<4096xi32, #tpu.memory_space<smem>>, %arg2: memref<4096xi32, #tpu.memory_space<smem>>, %arg3: memref<1xi32, #tpu.memory_space<smem>>) -> (i32, i32) {
    %c0_i32 = arith.constant 0 : i32
    %c0_i32_0 = arith.constant 0 : i32
    %c0_i32_1 = arith.constant 0 : i32
    return %c0_i32, %c0_i32_0 : i32, i32
  }
  func.func @transform_6(%arg0: i32, %arg1: memref<4096xi32, #tpu.memory_space<smem>>, %arg2: memref<4096xi32, #tpu.memory_space<smem>>, %arg3: memref<1xi32, #tpu.memory_space<smem>>) -> (i32, i32) {
    %c0_i32 = arith.constant 0 : i32
    %c0_i32_0 = arith.constant 0 : i32
    %c0_i32_1 = arith.constant 0 : i32
    return %c0_i32, %c0_i32_0 : i32, i32
  }
  func.func @transform_7(%arg0: i32, %arg1: memref<4096xi32, #tpu.memory_space<smem>>, %arg2: memref<4096xi32, #tpu.memory_space<smem>>, %arg3: memref<1xi32, #tpu.memory_space<smem>>) -> (i32, i32) {
    %c0_i32 = arith.constant 0 : i32
    %c0_i32_0 = arith.constant 0 : i32
    %c0_i32_1 = arith.constant 0 : i32
    return %c0_i32, %c0_i32_0 : i32, i32
  }
  func.func @transform_8(%arg0: i32, %arg1: memref<4096xi32, #tpu.memory_space<smem>>, %arg2: memref<4096xi32, #tpu.memory_space<smem>>, %arg3: memref<1xi32, #tpu.memory_space<smem>>) -> (i32, i32) {
    %c0_i32 = arith.constant 0 : i32
    %c0_i32_0 = arith.constant 0 : i32
    %c0_i32_1 = arith.constant 0 : i32
    return %c0_i32, %c0_i32_0 : i32, i32
  }
  func.func @transform_9(%arg0: i32, %arg1: memref<4096xi32, #tpu.memory_space<smem>>, %arg2: memref<4096xi32, #tpu.memory_space<smem>>, %arg3: memref<1xi32, #tpu.memory_space<smem>>) -> (i32, i32) {
    %c0_i32 = arith.constant 0 : i32
    %c0_i32_0 = arith.constant 0 : i32
    %c0_i32_1 = arith.constant 0 : i32
    return %c0_i32, %c0_i32_0 : i32, i32
  }
  func.func @transform_10(%arg0: i32, %arg1: memref<4096xi32, #tpu.memory_space<smem>>, %arg2: memref<4096xi32, #tpu.memory_space<smem>>, %arg3: memref<1xi32, #tpu.memory_space<smem>>) -> (i32, i32) {
    %c0_i32 = arith.constant 0 : i32
    %c0_i32_0 = arith.constant 0 : i32
    %c0_i32_1 = arith.constant 0 : i32
    return %c0_i32, %c0_i32_0 : i32, i32
  }
  func.func @transform_11(%arg0: i32, %arg1: memref<4096xi32, #tpu.memory_space<smem>>, %arg2: memref<4096xi32, #tpu.memory_space<smem>>, %arg3: memref<1xi32, #tpu.memory_space<smem>>) -> (i32, i32) {
    %c0_i32 = arith.constant 0 : i32
    %c0_i32_0 = arith.constant 0 : i32
    %c0_i32_1 = arith.constant 0 : i32
    return %c0_i32, %c0_i32_0 : i32, i32
  }
  func.func @transform_12(%arg0: i32, %arg1: memref<4096xi32, #tpu.memory_space<smem>>, %arg2: memref<4096xi32, #tpu.memory_space<smem>>, %arg3: memref<1xi32, #tpu.memory_space<smem>>) -> (i32, i32) {
    %c0_i32 = arith.constant 0 : i32
    %c0_i32_0 = arith.constant 0 : i32
    %c0_i32_1 = arith.constant 0 : i32
    return %c0_i32, %c0_i32_0 : i32, i32
  }
  func.func @transform_13(%arg0: i32, %arg1: memref<4096xi32, #tpu.memory_space<smem>>, %arg2: memref<4096xi32, #tpu.memory_space<smem>>, %arg3: memref<1xi32, #tpu.memory_space<smem>>) -> (i32, i32) {
    %c0_i32 = arith.constant 0 : i32
    %c0_i32_0 = arith.constant 0 : i32
    %c0_i32_1 = arith.constant 0 : i32
    return %c0_i32, %c0_i32_0 : i32, i32
  }
}

module attributes {stable_mosaic.version = 14 : i64} {
  func.func @_head_kernel(%arg0: i32, %arg1: memref<4096x128xf32, #tpu.memory_space<vmem>>, %arg2: memref<1x4096xi32, #tpu.memory_space<vmem>>, %arg3: memref<128x64xf32, #tpu.memory_space<vmem>>, %arg4: memref<1x64xf32, #tpu.memory_space<vmem>>, %arg5: memref<64x128xf32, #tpu.memory_space<vmem>>, %arg6: memref<1x128xf32, #tpu.memory_space<vmem>>, %arg7: memref<128x1xf32, #tpu.memory_space<vmem>>, %arg8: memref<1x1xf32, #tpu.memory_space<vmem>>, %arg9: memref<64x1xf32, #tpu.memory_space<vmem>>) attributes {dimension_semantics = [#tpu.dimension_semantics<arbitrary>], iteration_bounds = array<i64: 1>, scalar_prefetch = 0 : i64, scratch_operands = 0 : i64, tpu.core_type = #tpu.core_type<tc>, window_params = [{pipeline_mode = #tpu.pipeline_mode<synchronous>, transform_indices = @transform_0, window_bounds = array<i64: 4096, 128>}, {pipeline_mode = #tpu.pipeline_mode<synchronous>, transform_indices = @transform_1, window_bounds = array<i64: 1, 4096>}, {pipeline_mode = #tpu.pipeline_mode<synchronous>, transform_indices = @transform_2, window_bounds = array<i64: 128, 64>}, {pipeline_mode = #tpu.pipeline_mode<synchronous>, transform_indices = @transform_3, window_bounds = array<i64: 1, 64>}, {pipeline_mode = #tpu.pipeline_mode<synchronous>, transform_indices = @transform_4, window_bounds = array<i64: 64, 128>}, {pipeline_mode = #tpu.pipeline_mode<synchronous>, transform_indices = @transform_5, window_bounds = array<i64: 1, 128>}, {pipeline_mode = #tpu.pipeline_mode<synchronous>, transform_indices = @transform_6, window_bounds = array<i64: 128, 1>}, {pipeline_mode = #tpu.pipeline_mode<synchronous>, transform_indices = @transform_7, window_bounds = array<i64: 1, 1>}, {pipeline_mode = #tpu.pipeline_mode<synchronous>, transform_indices = @transform_8, window_bounds = array<i64: 64, 1>}]} {
    %get3A = arith.constant 0 : index
    %get3A_0 = arith.constant 0 : index
    %get3A_1 = vector.load %arg1[%get3A, %get3A_0] : memref<4096x128xf32, #tpu.memory_space<vmem>>, vector<4096x128xf32>
    %get3A_2 = arith.constant 0 : index
    %get3A_3 = arith.constant 0 : index
    %get3A_4 = vector.load %arg3[%get3A_2, %get3A_3] : memref<128x64xf32, #tpu.memory_space<vmem>>, vector<128x64xf32>
    %dot_general3A = arith.constant dense<0.000000e+00> : vector<4096x64xf32>
    %dot_general3A_5 = tpu.matmul %get3A_1, %get3A_4, %dot_general3A {dimension_numbers = #tpu.dot_dimension_numbers<[1], [0], [0], [1], [0, 0, 1, 1], [], []>, transpose_lhs_hint = false} : vector<4096x128xf32>, vector<128x64xf32>, vector<4096x64xf32> -> vector<4096x64xf32>
    %get3A_6 = arith.constant 0 : index
    %get3A_7 = arith.constant 0 : index
    %get3A_8 = vector.load %arg4[%get3A_6, %get3A_7] : memref<1x64xf32, #tpu.memory_space<vmem>>, vector<1x64xf32>
    %add3A = vector.broadcast %get3A_8 : vector<1x64xf32> to vector<4096x64xf32>
    %add3A_9 = arith.addf %dot_general3A_5, %add3A : vector<4096x64xf32>
    %custom_jvp_call3A = arith.constant 0.000000e+00 : f32
    %max3A = vector.broadcast %custom_jvp_call3A : f32 to vector<4096x64xf32>
    %max3A_10 = arith.maximumf %add3A_9, %max3A : vector<4096x64xf32>
    %sub3A = vector.broadcast %custom_jvp_call3A : f32 to vector<4096x64xf32>
    %sub3A_11 = arith.subf %add3A_9, %sub3A : vector<4096x64xf32>
    %ne3A = arith.cmpf one, %sub3A_11, %sub3A_11 : vector<4096x64xf32>
    %add3A_12 = vector.broadcast %custom_jvp_call3A : f32 to vector<4096x64xf32>
    %add3A_13 = arith.addf %add3A_9, %add3A_12 : vector<4096x64xf32>
    %abs3A = math.absf %sub3A_11 : vector<4096x64xf32>
    %neg3A = arith.constant 0.000000e+00 : f32
    %neg3A_14 = vector.broadcast %neg3A : f32 to vector<4096x64xf32>
    %neg3A_15 = arith.subf %neg3A_14, %abs3A : vector<4096x64xf32>
    %exp3A = math.exp %neg3A_15 : vector<4096x64xf32>
    %log1p3A = math.log1p %exp3A : vector<4096x64xf32>
    %add3A_16 = arith.addf %max3A_10, %log1p3A : vector<4096x64xf32>
    %select_n3A = arith.select %ne3A, %add3A_13, %add3A_16 : vector<4096x64xi1>, vector<4096x64xf32>
    %sub3A_17 = arith.constant 0.693147182 : f32
    %sub3A_18 = vector.broadcast %sub3A_17 : f32 to vector<4096x64xf32>
    %sub3A_19 = arith.subf %select_n3A, %sub3A_18 : vector<4096x64xf32>
    %get3A_20 = arith.constant 0 : index
    %get3A_21 = arith.constant 0 : index
    %get3A_22 = vector.load %arg5[%get3A_20, %get3A_21] : memref<64x128xf32, #tpu.memory_space<vmem>>, vector<64x128xf32>
    %dot_general3A_23 = arith.constant dense<0.000000e+00> : vector<4096x128xf32>
    %dot_general3A_24 = tpu.matmul %sub3A_19, %get3A_22, %dot_general3A_23 {dimension_numbers = #tpu.dot_dimension_numbers<[1], [0], [0], [1], [0, 0, 1, 1], [], []>, transpose_lhs_hint = false} : vector<4096x64xf32>, vector<64x128xf32>, vector<4096x128xf32> -> vector<4096x128xf32>
    %get3A_25 = arith.constant 0 : index
    %get3A_26 = arith.constant 0 : index
    %get3A_27 = vector.load %arg6[%get3A_25, %get3A_26] : memref<1x128xf32, #tpu.memory_space<vmem>>, vector<1x128xf32>
    %add3A_28 = vector.broadcast %get3A_27 : vector<1x128xf32> to vector<4096x128xf32>
    %add3A_29 = arith.addf %dot_general3A_24, %add3A_28 : vector<4096x128xf32>
    %iota3A = tpu.iota {dimensions = array<i32: 0>} : vector<64x4096xi32>
    %get3A_30 = arith.constant 0 : index
    %get3A_31 = arith.constant 0 : index
    %get3A_32 = vector.load %arg2[%get3A_30, %get3A_31] : memref<1x4096xi32, #tpu.memory_space<vmem>>, vector<1x4096xi32>
    %eq3A = vector.broadcast %get3A_32 : vector<1x4096xi32> to vector<64x4096xi32>
    %eq3A_33 = arith.cmpi eq, %iota3A, %eq3A : vector<64x4096xi32>
    %convert_element_type3A = arith.extui %eq3A_33 : vector<64x4096xi1> to vector<64x4096xi32>
    %convert_element_type3A_34 = arith.sitofp %convert_element_type3A : vector<64x4096xi32> to vector<64x4096xf32>
    %dot_general3A_35 = arith.constant dense<0.000000e+00> : vector<64x128xf32>
    %dot_general3A_36 = tpu.matmul %convert_element_type3A_34, %add3A_29, %dot_general3A_35 {dimension_numbers = #tpu.dot_dimension_numbers<[1], [0], [0], [1], [0, 0, 1, 1], [], []>, transpose_lhs_hint = false} : vector<64x4096xf32>, vector<4096x128xf32>, vector<64x128xf32> -> vector<64x128xf32>
    %get3A_37 = arith.constant 0 : index
    %get3A_38 = arith.constant 0 : index
    %get3A_39 = vector.load %arg7[%get3A_37, %get3A_38] : memref<128x1xf32, #tpu.memory_space<vmem>>, vector<128x1xf32>
    %dot_general3A_40 = arith.constant dense<0.000000e+00> : vector<64x1xf32>
    %dot_general3A_41 = tpu.matmul %dot_general3A_36, %get3A_39, %dot_general3A_40 {dimension_numbers = #tpu.dot_dimension_numbers<[1], [0], [0], [1], [0, 0, 1, 1], [], []>, transpose_lhs_hint = false} : vector<64x128xf32>, vector<128x1xf32>, vector<64x1xf32> -> vector<64x1xf32>
    %get3A_42 = arith.constant 0 : index
    %get3A_43 = arith.constant 0 : index
    %get3A_44 = vector.load %arg8[%get3A_42, %get3A_43] : memref<1x1xf32, #tpu.memory_space<vmem>>, vector<1x1xf32>
    %add3A_45 = vector.broadcast %get3A_44 : vector<1x1xf32> to vector<64x1xf32>
    %add3A_46 = arith.addf %dot_general3A_41, %add3A_45 : vector<64x1xf32>
    %swap3A = arith.constant 0 : index
    %swap3A_47 = arith.constant 0 : index
    %swap3A_48 = vector.load %arg9[%swap3A, %swap3A_47] : memref<64x1xf32, #tpu.memory_space<vmem>>, vector<64x1xf32>
    tpu.vector_store %arg9[%swap3A, %swap3A_47], %add3A_46 {strides = array<i32>} : memref<64x1xf32, #tpu.memory_space<vmem>>, vector<64x1xf32>,
    return
  }
  func.func @transform_0(%arg0: i32) -> (i32, i32) {
    %c0_i32 = arith.constant 0 : i32
    %c0_i32_0 = arith.constant 0 : i32
    %c0_i32_1 = arith.constant 0 : i32
    return %c0_i32, %c0_i32_0 : i32, i32
  }
  func.func @transform_1(%arg0: i32) -> (i32, i32) {
    %c0_i32 = arith.constant 0 : i32
    %c0_i32_0 = arith.constant 0 : i32
    %c0_i32_1 = arith.constant 0 : i32
    return %c0_i32, %c0_i32_0 : i32, i32
  }
  func.func @transform_2(%arg0: i32) -> (i32, i32) {
    %c0_i32 = arith.constant 0 : i32
    %c0_i32_0 = arith.constant 0 : i32
    %c0_i32_1 = arith.constant 0 : i32
    return %c0_i32, %c0_i32_0 : i32, i32
  }
  func.func @transform_3(%arg0: i32) -> (i32, i32) {
    %c0_i32 = arith.constant 0 : i32
    %c0_i32_0 = arith.constant 0 : i32
    %c0_i32_1 = arith.constant 0 : i32
    return %c0_i32, %c0_i32_0 : i32, i32
  }
  func.func @transform_4(%arg0: i32) -> (i32, i32) {
    %c0_i32 = arith.constant 0 : i32
    %c0_i32_0 = arith.constant 0 : i32
    %c0_i32_1 = arith.constant 0 : i32
    return %c0_i32, %c0_i32_0 : i32, i32
  }
  func.func @transform_5(%arg0: i32) -> (i32, i32) {
    %c0_i32 = arith.constant 0 : i32
    %c0_i32_0 = arith.constant 0 : i32
    %c0_i32_1 = arith.constant 0 : i32
    return %c0_i32, %c0_i32_0 : i32, i32
  }
  func.func @transform_6(%arg0: i32) -> (i32, i32) {
    %c0_i32 = arith.constant 0 : i32
    %c0_i32_0 = arith.constant 0 : i32
    %c0_i32_1 = arith.constant 0 : i32
    return %c0_i32, %c0_i32_0 : i32, i32
  }
  func.func @transform_7(%arg0: i32) -> (i32, i32) {
    %c0_i32 = arith.constant 0 : i32
    %c0_i32_0 = arith.constant 0 : i32
    %c0_i32_1 = arith.constant 0 : i32
    return %c0_i32, %c0_i32_0 : i32, i32
  }
  func.func @transform_8(%arg0: i32) -> (i32, i32) {
    %c0_i32 = arith.constant 0 : i32
    %c0_i32_0 = arith.constant 0 : i32
    %c0_i32_1 = arith.constant 0 : i32
    return %c0_i32, %c0_i32_0 : i32, i32
  }
}

</mosaic_0001>

<sc_bundles>
// kernel: scatter_offload_async_start
scs
__scs_entry_jumppad:
0x0: {  	(pc) =	sbr.rel $0x88, $3  }
0x1: {  	(tag) =	ssettag $0x0;
	lr =	simm.s32 $0x1  }
0x2: {  	[smem:$0x3F8E] =	sst lr;
	_ =	strace $0xD0000000  }
0x3: {  	_ = 	snop  }
0x4: {  	_ = 	snop  }
0x5: {  	_ = 	snop  }
0x6: {  	_ = 	snop  }
0x7: {  	_ = 	snop  }
__scs_overlays_trampoline_lowered:
0x8: {  	[smem:$0x3F9D] =	sst s0  }
0x9: {  	[smem:$0x3F9E] =	sst s1  }
0xa: {  	[smem:$0x3F9F] =	sst s2  }
0xb: {  	[smem:$0x3FA0] =	sst s3  }
0xc: {  	[smem:$0x3FA1] =	sst s4  }
0xd: {  	[smem:$0x3FA2] =	sst s5  }
0xe: {  	[smem:$0x3FA3] =	sst s6  }
0xf: {  	[smem:$0x3FA4] =	sst s7  }
0x10: {  	[smem:$0x3FA5] =	sst s8  }
0x11: {  	[smem:$0x3FA6] =	sst s9;
	s0 =	simm.s32 @!p0 $0x0  }
0x12: {  	s1 =	sld [smem:$0x3F8C];
	s0 =	simm.s32 @p0 $0x1  }
0x13: {  	[smem:$0x3FA7] =	sst s0;
	s0 =	simm.s32 @!p1 $0x0  }
0x14: {  	s2 =	sld [smem:$0x3F8B];
	s0 =	simm.s32 @p1 $0x1  }
0x15: {  	[smem:$0x3FA8] =	sst s0;
	s0 =	simm.s32 @!p2 $0x0  }
0x16: {  	s3 =	sld [smem:$0x3FDB];
	s0 =	simm.s32 @p2 $0x1  }
0x17: {  	s4 =	simm.s32 $0x1BF5;
	[smem:$0x3FAA] =	sst s0  }
0x18: {  	s0 =	sld [smem:$0x3F8D];
	_ =	swait.ge [sflag:s4], $0x0  }
0x19: {  	s7 =	sld [smem:$0x3F8E]  }
0x1a: {  	s8 =	sadd.s32 $0xFFFFE003, lr  }
0x1b: {  	s9 =	sadd.s32 $0xFFFFFEF7, lr;
	s5 =	simm.s32 $0xFFFFFFFF;
	p2 =	slt.u32 s8, $0xFFFFF086  }
0x1c: {  	p1 =	slt.u32 s9, $0xF7A;
	s5 =	simm.s32 @!p2 $0x0  }
0x1d: {  	s5 =	simm.s32 @p1 $0x1;
	p0 =	seq.s32 s7, s2  }
0x1e: {  	s7 =	smul.u32 @!p0 $0xF7A, s2;
	p2 =	seq.s32 @!p0 s5, $0x0  }
0x1f: {  	s9 =	smul.u32 $0xF7A, s1;
	s8 =	simm.s32 @!p0 $0x1BF5;
	p2 =	por !p2, p0  }
0x20: {  	[sflag:s8] =	ssyncset.s32 @!p0 $0xFFFFF086;
	s6 =	sadd.s32 @!p0 s3, s7;
	s7 =	simm.s32 @!p0 $0x108  }
0x21: {  	s3 =	sadd.s32 s3, s9;
	s6 =	sadd.s32 @!p0 $0x88, s6;
	s7 =	simm.s32 @p2 $0x1082  }
0x22: {  	[simem:s7], [sflag:s8] =	dma.local @!p0 [hbm:s6], $0xF7A  }
0x23: {  	s9 =	sor.u32 $0xD0000000, s2;
	s6 =	simm.s32 $0x108;
	_ =	swait.ge @!p0 [sflag:s8], $0x0  }
0x24: {  	s3 =	sadd.s32 $0x88, s3;
	s6 =	simm.s32 @!p1 $0x1082;
	[sflag:s4] =	ssyncset.s32 $0xFFFFF086  }
0x25: {  	[simem:s6], [sflag:s4] =	dma.local [hbm:s3], $0xF7A  }
0x26: {  	[smem:$0x3F8E] =	sst s1;
	(tag) =	ssettag s2;
	_ =	strace s9  }
0x27: {  	s1 =	sld [smem:$0x3F9E]  }
0x28: {  	s2 =	sld [smem:$0x3F9F]  }
0x29: {  	s4 =	sld [smem:$0x3FA1]  }
0x2a: {  	p0 =	seq.s32 s5, $0x0;
	s5 =	sld [smem:$0x3FA2]  }
0x2b: {  	s6 =	sld [smem:$0x3FA3]  }
0x2c: {  	s7 =	sld [smem:$0x3FA4]  }
0x2d: {  	s3 =	simm.s32 $0x108;
	s8 =	sld [smem:$0x3FA5]  }
0x2e: {  	s3 =	simm.s32 @!p0 $0x1082;
	s9 =	sld [smem:$0x3FA6]  }
0x2f: {  	lr =	sadd.s32 s0, s3;
	s0 =	sld [smem:$0x3F9D]  }
0x30: {  	s3 =	sld [smem:$0x3FA0]  }
0x31: {  	[smem:$0x3FA9] =	sst s10  }
0x32: {  	s10 =	sld [smem:$0x3FA7];
	_ =	sdelay $0x3  }
0x33: {  	p0 =	seq.s32 s10, $0x1;
	s10 =	sld [smem:$0x3FA9];
	_ =	sdelay $0x3  }
0x34: {  	[smem:$0x3FA9] =	sst s10  }
0x35: {  	s10 =	sld [smem:$0x3FA8];
	_ =	sdelay $0x3  }
0x36: {  	p1 =	seq.s32 s10, $0x1;
	s10 =	sld [smem:$0x3FA9];
	_ =	sdelay $0x3  }
0x37: {  	[smem:$0x3FA9] =	sst s10  }
0x38: {  	s10 =	sld [smem:$0x3FAA]  }
0x39: {  	_ = 	snop;
	(pc) =	sbr.ind lr, $3  }
0x3a: {  	_ = 	snop  }
0x3b: {  	_ = 	snop  }
0x3c: {  	p2 =	seq.s32 s10, $0x1;
	s10 =	sld [smem:$0x3FA9]  }
0x3d: {  	_ =	shalt  }
0x3e: {  	_ =	shalt  }
0x3f: {  	_ =	shalt  }
0x40: {  	_ =	shalt  }
0x41: {  	_ =	shalt  }
0x42: {  	_ =	shalt  }
0x43: {  	_ =	shalt  }
0x44: {  	_ =	shalt  }
0x45: {  	_ =	shalt  }
0x46: {  	_ =	shalt  }
0x47: {  	_ =	shalt  }
0x48: {  	_ =	shalt  }
0x49: {  	_ =	shalt  }
0x4a: {  	_ =	shalt  }
0x4b: {  	_ =	shalt  }
0x4c: {  	_ =	shalt  }
0x4d: {  	_ =	shalt  }
0x4e: {  	_ =	shalt  }
0x4f: {  	_ =	shalt  }
0x50: {  	_ =	shalt  }
0x51: {  	_ =	shalt  }
0x52: {  	_ =	shalt  }
0x53: {  	_ =	shalt  }
0x54: {  	_ =	shalt  }
0x55: {  	_ =	shalt  }
0x56: {  	_ =	shalt  }
0x57: {  	_ =	shalt  }
0x58: {  	_ =	shalt  }
0x59: {  	_ =	shalt  }
0x5a: {  	_ =	shalt  }
0x5b: {  	_ =	shalt  }
0x5c: {  	_ =	shalt  }
0x5d: {  	_ =	shalt  }
0x5e: {  	_ =	shalt  }
0x5f: {  	_ =	shalt  }
0x60: {  	_ =	shalt  }
0x61: {  	_ =	shalt  }
0x62: {  	_ =	shalt  }
0x63: {  	_ =	shalt  }
0x64: {  	_ =	shalt  }
0x65: {  	_ =	shalt  }
0x66: {  	_ =	shalt  }
0x67: {  	_ =	shalt  }
0x68: {  	_ =	shalt  }
0x69: {  	_ =	shalt  }
0x6a: {  	_ =	shalt  }
0x6b: {  	_ =	shalt  }
0x6c: {  	_ =	shalt  }
0x6d: {  	_ =	shalt  }
0x6e: {  	_ =	shalt  }
0x6f: {  	_ =	shalt  }
0x70: {  	_ =	shalt  }
0x71: {  	_ =	shalt  }
0x72: {  	_ =	shalt  }
0x73: {  	_ =	shalt  }
0x74: {  	_ =	shalt  }
0x75: {  	_ =	shalt  }
0x76: {  	_ =	shalt  }
0x77: {  	_ =	shalt  }
0x78: {  	_ =	shalt  }
0x79: {  	_ =	shalt  }
0x7a: {  	_ =	shalt  }
0x7b: {  	_ =	shalt  }
0x7c: {  	_ =	shalt  }
0x7d: {  	_ =	shalt  }
0x7e: {  	_ =	shalt  }
0x7f: {  	_ =	shalt  }
0x80: {  	_ =	shalt  }
0x81: {  	_ =	shalt  }
0x82: {  	_ =	shalt  }
0x83: {  	_ =	shalt  }
0x84: {  	_ =	shalt  }
0x85: {  	_ =	shalt  }
0x86: {  	_ =	shalt  }
0x87: {  	_ =	shalt  }
.Lfunc_end0:
.L_simem_size_0:
called_computation_lowered:
.L_overlay_start_0:
0x88: {  	s0 =	sld [smem:$0x3FD9]  }
0x89: {  	s1 =	sld [smem:$0x3FFE];
	_ =	sdelay $0x3  }
0x8a: {  	s0 =	sadd.s32 s1, s0  }
0x8b: {  	[smem:$0x3FB5] =	sst s0  }
0x8c: {  	_ = 	snop  }
0x8d: {  	(tm) =	ssettm $0x1  }
0x8e: {  	s15 =	sld [smem:$0x3FFB];
	_ =	sdelay $0x3  }
0x8f: {  	_ =	strace s15  }
0x90: {  	s0 =	sld [smem:$0x3FFC];
	_ =	sdelay $0x3  }
0x91: {  	_ =	strace s0  }
0x92: {  	s0 =	sld [smem:$0x3FFD];
	_ =	sdelay $0x3  }
0x93: {  	_ =	strace s0  }
0x94: {  	_ =	strace $0x8FFFFFFF  }
0x95: {  	s16 =	sld [smem:$0x3FDB];
	_ =	sdelay $0x1  }
0x96: {  	s17 =	simm.s32 $_scs_section_size  }
0x97: {  	s2 =	simm.s32 $_size__tile_overlayer_lowered;
	s3 =	simm.s32 $_tile_overlayer_lowered  }
0x98: {  	s20 =	simm.s32 $0x1BFF;
	s19 =	sshll.u32 s3, $0x1;
	s0 =	sadd.s32 s17, s16  }
0x99: {  	s4 =	simm.s32 $0x0;
	s18 =	sshll.u32 s2, $0x1;
	s2 =	sadd.s32 s19, s0  }
0x9a: {  	[timem:s4], [sflag:s20] =	dma.local [hbm:s2], s18  }
0x9b: {  	_ =	swait.ge [sflag:s20], s18  }
0x9c: {  	s1 =	ssub.s32 $0x0, s18;
	[sflag:s20] =	ssyncset.done $0x0  }
0x9d: {  	[sflag:s20] =	ssyncadd.s32 s1;
	_ =	sdelay $0x1  }
0x9e: {  	s21 =	simm.s32 $0x1B8B  }
0x9f: {  	_ =	swait.ge [sflag:s21], $0x1  }
0xa0: {  	[sflag:s21] =	ssyncset.done $0x0  }
0xa1: {  	s23 =	simm.s32 $0x1B8E;
	s22 =	sld [smem:$0x3FFE];
	[sflag:s21] =	ssyncadd.s32 $0xFFFFFFFF  }
0xa2: {  	s24 =	simm.s32 $execute0_lowered;
	[smem:$0x3FD2] =	sst s23  }
0xa3: {  	s2 =	sshll.u32 s24, $0x1;
	_ =	strace $0x80000046;
	[dreg:$0x1] =	wrdreg $0xFFFFFFFF  }
0xa4: {  	s25 =	simm.s32 $_size_execute0_lowered;
	s0 =	sadd.s32 s0, s2;
	[dreg:$0x0] =	wrdreg $0x0  }
0xa5: {  	s2 =	sshll.u32 s25, $0x1;
	[dreg:$0x2] =	wrdreg s0  }
0xa6: {  	[dreg:$0x3] =	wrdreg s2  }
0xa7: {  	[dreg:$0x4] =	wrdreg $0xC0  }
0xa8: {  	_ =	task [dreg:s4], $0x5FFFF  }
0xa9: {  	[dreg:$0x1] =	wrdreg $0xFFFFFFFF  }
0xaa: {  	[dreg:$0x0] =	wrdreg $0x60  }
0xab: {  	[dreg:$0x2] =	wrdreg s22  }
0xac: {  	[dreg:$0x3] =	wrdreg $0x9  }
0xad: {  	_ =	task.clear_ibuf [dreg:s4], $0x4FFFF;
	_ =	strace $0x90000046  }
0xae: {  	s26 =	simm.s32 $0x9;
	_ =	strace $0x80000048  }
0xaf: {  	_ =	swait.ge [sflag:s26], $0x1  }
0xb0: {  	[sflag:s26] =	ssyncadd.s32 $0xFFFFFFFF  }
0xb1: {  	_ =	strace $0x90000048  }
0xb2: {  	_ =	sfence  }
0xb3: {  	s28 =	sld [smem:$0x0];
	_ =	sdelay $0x1  }
0xb4: {  	s29 =	srdreg.scid  }
0xb5: {  	s30 =	sshll.u32 s29, $0xD;
	s31 =	sshrl.u32 s29, $0x2  }
0xb6: {  	s1 =	sand.u32 $0x1, s29;
	s2 =	sand.u32 $0x4000, s30;
	s0 =	sadd.s32 s31, s28  }
0xb7: {  	s1 =	sor.u32 s2, s1;
	s0 =	sshll.u32 s0, $0x11  }
0xb8: {  	s0 =	sor.u32 s0, s1  }
0xb9: {  	s0 =	sadd.s32 $0x8F2B, s0  }
0xba: {  	[sflag:s0] =	ssyncadd.remote.s32 $0x1  }
0xbb: {  	_ =	sfence.sel $0xFFFF  }
0xbc: {  	[dreg:$0x0] =	wrdreg $0xFFFFFFFF;
	(pc) =	sbr.abs _section_cstart, $3  }
0xbd: {  	[dreg:$0x1] =	wrdreg $0xFFFFFFFF  }
0xbe: {  	_ =	task.clear_ibuf [dreg:s4], $0x2FFFF;
	_ =	strace $0x9FFFFFFF  }
0xbf: {  	(tm) =	ssettm $0x7FFFFFFF  }
tec
execute0_lowered:
.L_overlay_start_1:
0x0: {  	(tag) =	ssettag $0x1  }
0x1: {  	s5 =	rddreg [dreg:$0x0]  }
0x2: {  	s0 =	rddreg [dreg:$0x1];
	_ =	strace $0x80000047;
	s6 =	stileid.u32  }
0x3: {  	s3 =	simm.s32 $0x3E;
	s1 =	sadd.s32 $0x19000, s5;
	p0 =	sne.s32 s6, $0x0  }
0x4: {  	[sflag:s3] =	ssyncpa.u1 $0x0;
	s4 =	simm.s32 @!p0 $0x1C3E;
	s2 =	simm.s32 @!p0 $0x0  }
0x5: {  	[spmem:s2], [sflag:s4] =	dma.local @!p0 [hbm:s1], $0x200  }
0x6: {  	s4 =	simm.s32 @!p0 $0x3E  }
0x7: {  	_ =	swait.ge @!p0 [sflag:s4], $0x200  }
0x8: {  	[sflag:s4] =	ssyncset.done @!p0 $0x0  }
0x9: {  	s9 =	simm.s32 $0x200;
	[sflag:s4] =	ssyncadd.s32 @!p0 $0xFFFFFE00  }
0xa: {  	s7 =	sadd.s32 $0x7200, s5;
	s8 =	sadd.s32 $0x18E00, s5;
	[bflag:$0x0] =	sbarrier.arrive $0xFFFF  }
0xb: {  	s6 =	sshll.u32 s6, $0x5;
	[sflag:s3] =	ssyncpa.u1 $0x1;
	s3 =	simm.s32 $0x1  }
0xc: {  	s5 =	simm.s32 $0x0;
	s4 =	simm.s32 $0x2;
	[sflag:s3] =	ssyncpa.u1 $0x0  }
0xd: {  	s7 =	sadd.s32 s7, s6;
	(ifvalue) =	ssetifvalue $0x1000;
	[sflag:s4] =	ssyncpa.u1 $0x0  }
0xe: {  	[tilespmem:s9], [sflag:$0x2] =	stream.linear.gather [hbm4b:s7+s5], $0x100, $0x38;
	[tilespmem:$0x500] =	vst v63  }
0xf: {  	s23 =	simm.s32 $0x400;
	s6 =	sadd.s32 s8, s6  }
0x10: {  	[tilespmem:s23], [sflag:$0x2] =	stream.linear.gather [hbm4b:s6+s5], $0x100, $0x38;
	[tilespmem:$0x500] =	vst v63  }
0x11: {  	_ =	swait.ge [sflag:s4], $0x200  }
0x12: {  	[sflag:s4] =	ssyncset.done $0x0  }
0x13: {  	[sflag:s4] =	ssyncadd.s32 $0xFFFFFE00  }
0x14: {  	v0 =	vld.msk [tilespmem:s9+$0x0 ss:$0x1], $0xffff;
	_ =	sdelay $0x4  }
0x15: {  	v0 =	vmin.u32 v0, $0x1000;
	_ =	sdelay $0x3  }
0x16: {  	vm0 =	vmmov $0xffff;
	s24 =	simm.s32 $0x210  }
0x17: {  	[spmem:s5] =	stream.indirect_vreg.scatter.add.s32 [tilespmem:s23], [sflag:$0x1], $0x1, v0, vm0, $0x4038;
	[tilespmem:$0x500] =	vst v63  }
0x18: {  	v0 =	vld.msk [tilespmem:s24+$0x0 ss:$0x1], $0xffff;
	_ =	sdelay $0x4  }
0x19: {  	v0 =	vmin.u32 v0, $0x1000;
	_ =	sdelay $0x3  }
0x1a: {  	s25 =	simm.s32 $0x410;
	s26 =	simm.s32 $0x220  }
0x1b: {  	[spmem:s5] =	stream.indirect_vreg.scatter.add.s32 [tilespmem:s25], [sflag:$0x1], $0x1, v0, vm0, $0x4038;
	[tilespmem:$0x500] =	vst v63  }
0x1c: {  	v0 =	vld.msk [tilespmem:s26+$0x0 ss:$0x1], $0xffff;
	_ =	sdelay $0x4  }
0x1d: {  	v0 =	vmin.u32 v0, $0x1000;
	_ =	sdelay $0x3  }
0x1e: {  	s28 =	simm.s32 $0x420;
	s29 =	simm.s32 $0x230  }
0x1f: {  	[spmem:s5] =	stream.indirect_vreg.scatter.add.s32 [tilespmem:s28], [sflag:$0x1], $0x1, v0, vm0, $0x4038;
	[tilespmem:$0x500] =	vst v63  }
0x20: {  	v0 =	vld.msk [tilespmem:s29+$0x0 ss:$0x1], $0xffff;
	_ =	sdelay $0x4  }
0x21: {  	v0 =	vmin.u32 v0, $0x1000;
	_ =	sdelay $0x3  }
0x22: {  	s30 =	simm.s32 $0x430;
	s31 =	simm.s32 $0x240  }
0x23: {  	[spmem:s5] =	stream.indirect_vreg.scatter.add.s32 [tilespmem:s30], [sflag:$0x1], $0x1, v0, vm0, $0x4038;
	[tilespmem:$0x500] =	vst v63  }
0x24: {  	v0 =	vld.msk [tilespmem:s31+$0x0 ss:$0x1], $0xffff;
	_ =	sdelay $0x4  }
0x25: {  	v0 =	vmin.u32 v0, $0x1000;
	_ =	sdelay $0x3  }
0x26: {  	s8 =	simm.s32 $0x250;
	s7 =	simm.s32 $0x440  }
0x27: {  	[spmem:s5] =	stream.indirect_vreg.scatter.add.s32 [tilespmem:s7], [sflag:$0x1], $0x1, v0, vm0, $0x4038;
	[tilespmem:$0x500] =	vst v63  }
0x28: {  	v0 =	vld.msk [tilespmem:s8+$0x0 ss:$0x1], $0xffff;
	_ =	sdelay $0x4  }
0x29: {  	v0 =	vmin.u32 v0, $0x1000;
	_ =	sdelay $0x3  }
0x2a: {  	s10 =	simm.s32 $0x260;
	s9 =	simm.s32 $0x450  }
0x2b: {  	[spmem:s5] =	stream.indirect_vreg.scatter.add.s32 [tilespmem:s9], [sflag:$0x1], $0x1, v0, vm0, $0x4038;
	[tilespmem:$0x500] =	vst v63  }
0x2c: {  	v0 =	vld.msk [tilespmem:s10+$0x0 ss:$0x1], $0xffff;
	_ =	sdelay $0x4  }
0x2d: {  	v0 =	vmin.u32 v0, $0x1000;
	_ =	sdelay $0x3  }
0x2e: {  	s11 =	simm.s32 $0x460;
	s12 =	simm.s32 $0x270  }
0x2f: {  	[spmem:s5] =	stream.indirect_vreg.scatter.add.s32 [tilespmem:s11], [sflag:$0x1], $0x1, v0, vm0, $0x4038;
	[tilespmem:$0x500] =	vst v63  }
0x30: {  	v0 =	vld.msk [tilespmem:s12+$0x0 ss:$0x1], $0xffff;
	_ =	sdelay $0x4  }
0x31: {  	v0 =	vmin.u32 v0, $0x1000;
	_ =	sdelay $0x3  }
0x32: {  	s13 =	simm.s32 $0x470;
	s14 =	simm.s32 $0x280  }
0x33: {  	[spmem:s5] =	stream.indirect_vreg.scatter.add.s32 [tilespmem:s13], [sflag:$0x1], $0x1, v0, vm0, $0x4038;
	[tilespmem:$0x500] =	vst v63  }
0x34: {  	v0 =	vld.msk [tilespmem:s14+$0x0 ss:$0x1], $0xffff;
	_ =	sdelay $0x4  }
0x35: {  	v0 =	vmin.u32 v0, $0x1000;
	_ =	sdelay $0x3  }
0x36: {  	s15 =	simm.s32 $0x480;
	s16 =	simm.s32 $0x290  }
0x37: {  	[spmem:s5] =	stream.indirect_vreg.scatter.add.s32 [tilespmem:s15], [sflag:$0x1], $0x1, v0, vm0, $0x4038;
	[tilespmem:$0x500] =	vst v63  }
0x38: {  	v0 =	vld.msk [tilespmem:s16+$0x0 ss:$0x1], $0xffff;
	_ =	sdelay $0x4  }
0x39: {  	v0 =	vmin.u32 v0, $0x1000;
	_ =	sdelay $0x3  }
0x3a: {  	s17 =	simm.s32 $0x490;
	s18 =	simm.s32 $0x2A0  }
0x3b: {  	[spmem:s5] =	stream.indirect_vreg.scatter.add.s32 [tilespmem:s17], [sflag:$0x1], $0x1, v0, vm0, $0x4038;
	[tilespmem:$0x500] =	vst v63  }
0x3c: {  	v0 =	vld.msk [tilespmem:s18+$0x0 ss:$0x1], $0xffff;
	_ =	sdelay $0x4  }
0x3d: {  	v0 =	vmin.u32 v0, $0x1000;
	_ =	sdelay $0x3  }
0x3e: {  	s19 =	simm.s32 $0x4A0;
	s20 =	simm.s32 $0x2B0  }
0x3f: {  	[spmem:s5] =	stream.indirect_vreg.scatter.add.s32 [tilespmem:s19], [sflag:$0x1], $0x1, v0, vm0, $0x4038;
	[tilespmem:$0x500] =	vst v63  }
0x40: {  	v0 =	vld.msk [tilespmem:s20+$0x0 ss:$0x1], $0xffff;
	_ =	sdelay $0x4  }
0x41: {  	v0 =	vmin.u32 v0, $0x1000;
	_ =	sdelay $0x3  }
0x42: {  	s21 =	simm.s32 $0x4B0;
	s22 =	simm.s32 $0x2C0  }
0x43: {  	[spmem:s5] =	stream.indirect_vreg.scatter.add.s32 [tilespmem:s21], [sflag:$0x1], $0x1, v0, vm0, $0x4038;
	[tilespmem:$0x500] =	vst v63  }
0x44: {  	v0 =	vld.msk [tilespmem:s22+$0x0 ss:$0x1], $0xffff;
	_ =	sdelay $0x4  }
0x45: {  	v0 =	vmin.u32 v0, $0x1000;
	_ =	sdelay $0x3  }
0x46: {  	s23 =	simm.s32 $0x4C0;
	s24 =	simm.s32 $0x2D0  }
0x47: {  	[spmem:s5] =	stream.indirect_vreg.scatter.add.s32 [tilespmem:s23], [sflag:$0x1], $0x1, v0, vm0, $0x4038;
	[tilespmem:$0x500] =	vst v63  }
0x48: {  	v0 =	vld.msk [tilespmem:s24+$0x0 ss:$0x1], $0xffff;
	_ =	sdelay $0x4  }
0x49: {  	v0 =	vmin.u32 v0, $0x1000;
	_ =	sdelay $0x3  }
0x4a: {  	s25 =	simm.s32 $0x4D0;
	s26 =	simm.s32 $0x2E0  }
0x4b: {  	[spmem:s5] =	stream.indirect_vreg.scatter.add.s32 [tilespmem:s25], [sflag:$0x1], $0x1, v0, vm0, $0x4038;
	[tilespmem:$0x500] =	vst v63  }
0x4c: {  	v0 =	vld.msk [tilespmem:s26+$0x0 ss:$0x1], $0xffff;
	_ =	sdelay $0x4  }
0x4d: {  	v0 =	vmin.u32 v0, $0x1000;
	_ =	sdelay $0x3  }
0x4e: {  	s28 =	simm.s32 $0x4E0;
	s29 =	simm.s32 $0x2F0  }
0x4f: {  	[spmem:s5] =	stream.indirect_vreg.scatter.add.s32 [tilespmem:s28], [sflag:$0x1], $0x1, v0, vm0, $0x4038;
	[tilespmem:$0x500] =	vst v63  }
0x50: {  	v0 =	vld.msk [tilespmem:s29+$0x0 ss:$0x1], $0xffff;
	_ =	sdelay $0x4  }
0x51: {  	v0 =	vmin.u32 v0, $0x1000;
	_ =	sdelay $0x3  }
0x52: {  	s30 =	simm.s32 $0x4F0  }
0x53: {  	[spmem:s5] =	stream.indirect_vreg.scatter.add.s32 [tilespmem:s30], [sflag:$0x1], $0x1, v0, vm0, $0x4038;
	[tilespmem:$0x500] =	vst v63  }
0x54: {  	_ =	swait.ge [sflag:s3], $0x100  }
0x55: {  	[sflag:s3] =	ssyncset.done $0x0  }
0x56: {  	[sflag:s3] =	ssyncadd.s32 $0xFFFFFF00  }
0x57: {  	_ =	sfence.sel $0x180000  }
0x58: {  	[bflag:$0x0] =	sbarrier.arrive $0xFFFF  }
0x59: {  	[sflag:s4] =	ssyncpa.u1 $0x1  }
0x5a: {  	[sflag:s3] =	ssyncpa.u1 $0x1  }
0x5b: {  	_ =	sfence.stream.spmem  }
0x5c: {  	s31 =	simm.s32 $0x3D;
	[bflag:$0x0] =	sbarrier.arrive $0xFFFF  }
0x5d: {  	s3 =	simm.s32 @p0 $0x3D;
	[sflag:s31] =	ssyncpa.u1 $0x0  }
0x5e: {  	[sflag:s3] =	ssyncpa.u1 @p0 $0x1  }
0x5f: {  	[bflag:$0x0] =	sbarrier.arrive @p0 $0xFFFF  }
0x60: {  	_ =	strace @p0 $0x90000047  }
0x61: {  	s3 =	simm.s32 @!p0 $0x1C3D;
	[bflag:$0x2] =	sbarrier.arrive @p0 $0xFFFF  }
0x62: {  	[hbm:s1], [sflag:s3] =	dma.local @!p0 [spmem:s2], $0x200  }
0x63: {  	s1 =	simm.s32 @!p0 $0x3D  }
0x64: {  	_ =	swait.ge @!p0 [sflag:s1], $0x200  }
0x65: {  	[sflag:s1] =	ssyncset.done @!p0 $0x0  }
0x66: {  	[sflag:s1] =	ssyncadd.s32 @!p0 $0xFFFFFE00  }
0x67: {  	[sflag:s1] =	ssyncpa.u1 @!p0 $0x1  }
0x68: {  	[bflag:$0x0] =	sbarrier.arrive @!p0 $0xFFFF  }
0x69: {  	_ =	strace @!p0 $0x90000047  }
0x6a: {  	s0 =	sadd.s32 @!p0 $0x100000, s0;
	[bflag:$0x2] =	sbarrier.arrive @!p0 $0xFFFF  }
0x6b: {  	[sflag:s0] =	ssyncadd.tile.s32 @!p0 $0x1;
	_ =	shalt  }
.Lfunc_end2:
_tile_overlayer_lowered:
.L_overlay_start_2:
0x6c: {  	(tag) =	ssettag $0x2  }
0x6d: {  	s0 =	rddreg [dreg:$0x0];
	s2 =	stileid.u32  }
0x6e: {  	s1 =	rddreg [dreg:$0x1];
	p0 =	sne.s32 s2, $0x0  }
0x6f: {  	s3 =	rddreg [dreg:$0x2];
	[bflag:$0x3] =	sbarrier.arrive $0xFFFF;
	s2 =	simm.s32 @!p0 $0x1C01  }
0x70: {  	[timem:s3], [sflag:s2] =	dma.local @!p0 [hbm:s0], s1  }
0x71: {  	s0 =	simm.s32 @!p0 $0x1  }
0x72: {  	_ =	swait.ge @!p0 [sflag:s0], s1  }
0x73: {  	s1 =	ssub.s32 @!p0 $0x0, s1;
	[sflag:s0] =	ssyncset.done @!p0 $0x0  }
0x74: {  	[sflag:s0] =	ssyncadd.s32 @!p0 s1  }
0x75: {  	[bflag:$0x3] =	sbarrier.arrive $0xFFFF  }
0x76: {  	_ =	shalt  }

</sc_bundles>
